<compile_context>
chip_gen: v7x
topology: tpu7x:2x2x1
jax: 0.10.2.dev20260603
libtpu: 0.0.44.dev20260713+nightly
codegen_flags: <defaults>
</compile_context>

<pallas_src>
import functools

import jax
import jax.numpy as jnp
from jax import lax
from jax.experimental import pallas as pl
from jax.experimental.pallas import tpu as pltpu
from jax.experimental.pallas import tpu_sc as plsc

NBUF = 4
CHUNK = 4
XROWS = 512


@functools.lru_cache(maxsize=None)
def _detile(V: int, D: int):
    lanes_per_row = 128 // D
    sup = XROWS * lanes_per_row
    n_sup = (V + sup - 1) // sup

    def body(t_ref, o_ref):
        eye = jnp.eye(D, dtype=jnp.float32)
        tt = jax.lax.dot_general(
            t_ref[...], eye, (((0,), (0,)), ((), ())),
            preferred_element_type=jnp.float32,
        )
        for k in range(lanes_per_row):
            o_ref[:, k * D:(k + 1) * D] = tt[k * XROWS:(k + 1) * XROWS, :]

    return pl.pallas_call(
        body,
        grid=(n_sup,),
        in_specs=[pl.BlockSpec((D, sup), lambda j: (0, j))],
        out_specs=pl.BlockSpec((XROWS, 128), lambda j: (j, 0)),
        out_shape=jax.ShapeDtypeStruct((n_sup * XROWS, 128), jnp.float32),
    )


@functools.lru_cache(maxsize=None)
def _remap_idx(B: int, H: int):
    sup = XROWS * (128 // 32)

    def body(i_ref, o_ref):
        r = i_ref[...]
        o_ref[...] = (
            (r & ~(sup - 1))
            | ((r & (XROWS - 1)) << 2)
            | ((r >> 9) & (sup // XROWS - 1))
        )

    return pl.pallas_call(
        body,
        out_shape=jax.ShapeDtypeStruct((B, H), jnp.int32),
    )


@functools.lru_cache(maxsize=None)
def _embed_lookup(B: int, H: int, V: int, D: int):
    info = plsc.get_sparse_core_info()
    nw = info.num_cores * info.num_subcores
    rows_per_w = B // nw
    n_idx_w = rows_per_w * H
    stream_len = CHUNK * H
    n_outer = rows_per_w // (NBUF * CHUNK)
    assert rows_per_w * nw == B
    assert n_outer * NBUF * CHUNK == rows_per_w

    mesh = plsc.VectorSubcoreMesh(core_axis_name="c", subcore_axis_name="s")

    @functools.partial(
        pl.kernel,
        mesh=mesh,
        out_type=jax.ShapeDtypeStruct((B * H, D), jnp.float32),
        scratch_types=[
            pltpu.VMEM((n_idx_w,), jnp.int32),
            pltpu.VMEM((NBUF, stream_len, D), jnp.float32),
        ]
        + [pltpu.SemaphoreType.DMA] * (2 * NBUF),
        compiler_params=pltpu.CompilerParams(use_tc_tiling_on_sc=False),
    )
    def k(idx_hbm, table_hbm, out_hbm, idx_v, rows_v, *sems):
        gsems, wsems = sems[:NBUF], sems[NBUF:]
        wid = lax.axis_index("s") * info.num_cores + lax.axis_index("c")
        base = wid * n_idx_w

        pltpu.sync_copy(idx_hbm.at[pl.ds(base, n_idx_w)], idx_v)

        def fire_gather(c, b):
            pltpu.async_copy(
                table_hbm.at[idx_v.at[pl.ds(c * stream_len, stream_len)]],
                rows_v.at[b],
                gsems[b],
            )

        def wait_gather(b):
            pltpu.make_async_copy(
                table_hbm.at[idx_v.at[pl.ds(0, stream_len)]],
                rows_v.at[b],
                gsems[b],
            ).wait()

        def fire_write(c, b):
            pltpu.async_copy(
                rows_v.at[b],
                out_hbm.at[pl.ds(base + c * stream_len, stream_len)],
                wsems[b],
            )

        def wait_write(b):
            pltpu.make_async_copy(
                rows_v.at[b],
                out_hbm.at[pl.ds(base, stream_len)],
                wsems[b],
            ).wait()

        for b in range(NBUF):
            fire_gather(b, b)
        for b in range(NBUF):
            wait_gather(b)
            fire_write(b, b)

        def body(i, carry):
            for b in range(NBUF):
                wait_write(b)
                fire_gather(NBUF * i + b, b)
            for b in range(NBUF):
                wait_gather(b)
                fire_write(NBUF * i + b, b)
            return carry

        lax.fori_loop(1, n_outer, body, 0, unroll=False)

        for b in range(NBUF):
            wait_write(b)

    return k


def kernel(inputs, table):
    b, h = inputs.shape
    v, d = table.shape
    t_perm = _detile(v, d)(table.T)
    vrows = t_perm.shape[0] * (128 // d)
    idx_v = _remap_idx(b, h)(inputs.astype(jnp.int32))
    flat = _embed_lookup(b, h, vrows, d)(
        idx_v.reshape(b * h),
        t_perm.reshape(vrows, d),
    )
    return flat.reshape(b, h, d)

# --- scband reference (transcript-rebuilt; emitter-appended) ---
"""Pipeline reference for scband-embed-42898133353370 (READ-ONLY COPY).

The authoritative reference and input builder live on the scoring server;
editing this copy changes nothing except your own understanding.
"""

import jax, jax.numpy as jnp
import numpy as np

VOCAB = 1000000
EMBED = 32
BATCH = 4096
HIST = 200

def setup_inputs(seed: int = 0) -> dict:
    key = jax.random.key(seed)
    k_idx, k_tab = jax.random.split(key)
    inputs = jax.random.randint(k_idx, (BATCH, HIST), 0, VOCAB, dtype=jnp.int64 if jax.config.jax_enable_x64 else jnp.int32)
    table = jax.random.normal(k_tab, (VOCAB, EMBED), dtype=jnp.float32) * 0.05
    return {"inputs": inputs, "table": table}

def reference(inputs, table):
    # Faithful to tf.keras.layers.Embedding forward: gather rows of the table.
    # (mask_zero=True only produces a keras mask side-channel; the output tensor
    # itself is still the plain gather.)
    x = jnp.take(table, inputs, axis=0)
    return x

if __name__ == "__main__":
    import jax
    _d = setup_inputs()
    print(jax.jit(kernel)(*tuple(_d.values())))

</pallas_src>

<mosaic_0001>
#map = affine_map<(d0, d1) -> (0)>
#map1 = affine_map<(d0, d1) -> (0, 0)>
module attributes {stable_mosaic.version = 14 : i64} {
  func.func @k(%arg0: i32, %arg1: i32, %arg2: memref<819200xi32, #tpu.memory_space<hbm>>, %arg3: memref<1001472x32xf32, #tpu.memory_space<hbm>>, %arg4: memref<819200x32xf32, #tpu.memory_space<hbm>>, %arg5: memref<25600xi32, #tpu.memory_space<vmem>>, %arg6: memref<4x800x32xf32, #tpu.memory_space<vmem>>, %arg7: memref<!tpu.dma_semaphore, #tpu.memory_space<semaphore_mem>>, %arg8: memref<!tpu.dma_semaphore, #tpu.memory_space<semaphore_mem>>, %arg9: memref<!tpu.dma_semaphore, #tpu.memory_space<semaphore_mem>>, %arg10: memref<!tpu.dma_semaphore, #tpu.memory_space<semaphore_mem>>, %arg11: memref<!tpu.dma_semaphore, #tpu.memory_space<semaphore_mem>>, %arg12: memref<!tpu.dma_semaphore, #tpu.memory_space<semaphore_mem>>, %arg13: memref<!tpu.dma_semaphore, #tpu.memory_space<semaphore_mem>>, %arg14: memref<!tpu.dma_semaphore, #tpu.memory_space<semaphore_mem>>) attributes {dimension_semantics = [#tpu.dimension_semantics<core_parallel>, #tpu.dimension_semantics<subcore_parallel>], iteration_bounds = array<i64: 2, 16>, scalar_prefetch = 0 : i64, scratch_operands = 10 : i64, tpu.core_type = #tpu.core_type<sc_vector_subcore>, window_params = [{transform_indices = #map}, {transform_indices = #map1}, {transform_indices = #map1}]} {
    %mul3A = arith.constant 2 : i32
    %mul3A_0 = arith.muli %arg1, %mul3A : i32
    %add3A = arith.addi %mul3A_0, %arg0 : i32
    %mul3A_1 = arith.constant 25600 : i32
    %mul3A_2 = arith.muli %add3A, %mul3A_1 : i32
    "tpu.region"() ({
      %run_scoped3A = tpu.sem_alloc : memref<!tpu.dma_semaphore, #tpu.memory_space<semaphore_mem>>
      %dma_start3A_198 = tpu.memref_slice %arg2[%mul3A_2] : memref<819200xi32, #tpu.memory_space<hbm>> -> memref<25600xi32, #tpu.memory_space<hbm>>
      %dma_start3A_199 = tpu.memref_slice %arg2[%mul3A_2] : memref<819200xi32, #tpu.memory_space<hbm>> -> memref<25600xi32, #tpu.memory_space<hbm>>
      tpu.enqueue_dma source(%dma_start3A_199 : memref<25600xi32, #tpu.memory_space<hbm>>) target(%arg5 : memref<25600xi32, #tpu.memory_space<vmem>>) target_semaphore(%run_scoped3A : memref<!tpu.dma_semaphore, #tpu.memory_space<semaphore_mem>>)
      %dma_wait3A_200 = tpu.memref_slice %arg2[%mul3A_2] : memref<819200xi32, #tpu.memory_space<hbm>> -> memref<25600xi32, #tpu.memory_space<hbm>>
      %dma_wait3A_201 = tpu.memref_slice %arg2[%mul3A_2] : memref<819200xi32, #tpu.memory_space<hbm>> -> memref<25600xi32, #tpu.memory_space<hbm>>
      tpu.wait_dma2 semaphore(%run_scoped3A : memref<!tpu.dma_semaphore, #tpu.memory_space<semaphore_mem>>) src(%dma_wait3A_201 : memref<25600xi32, #tpu.memory_space<hbm>>) dst(%arg5 : memref<25600xi32, #tpu.memory_space<vmem>>)
      tpu.yield
    }) : () -> ()
    %dma_start3A = arith.constant 0 : i32
    %dma_start3A_3 = arith.constant 0 : i32
    %dma_start3A_4 = arith.constant 0 : i32
    %dma_start3A_5 = tpu.memref_slice %arg6[%dma_start3A, %dma_start3A_3, %dma_start3A_4] : memref<4x800x32xf32, #tpu.memory_space<vmem>> -> memref<1x800x32xf32, #tpu.memory_space<vmem>>
    %dma_start3A_6 = tpu.memref_squeeze %dma_start3A_5 : memref<1x800x32xf32, #tpu.memory_space<vmem>> -> memref<800x32xf32, #tpu.memory_space<vmem>>
    %dma_start3A_7 = arith.constant 0 : i32
    %dma_start3A_8 = tpu.memref_slice %arg5[%dma_start3A_7] : memref<25600xi32, #tpu.memory_space<vmem>> -> memref<800xi32, #tpu.memory_space<vmem>>
    %dma_start3A_9 = arith.constant 0 : i32
    %dma_start3A_10 = arith.constant 0 : i32
    %dma_start3A_11 = tpu.memref_slice %arg3[%dma_start3A_9, %dma_start3A_10] : memref<1001472x32xf32, #tpu.memory_space<hbm>> -> memref<1001472x32xf32, #tpu.memory_space<hbm>>
    tpu.enqueue_indirect_dma source(%dma_start3A_11 : memref<1001472x32xf32, #tpu.memory_space<hbm>>) target(%dma_start3A_6 : memref<800x32xf32, #tpu.memory_space<vmem>>) offsets(%dma_start3A_8 : memref<800xi32, #tpu.memory_space<vmem>>) semaphore(%arg7 : memref<!tpu.dma_semaphore, #tpu.memory_space<semaphore_mem>>)
    %dma_start3A_12 = arith.constant 1 : i32
    %dma_start3A_13 = arith.constant 0 : i32
    %dma_start3A_14 = arith.constant 0 : i32
    %dma_start3A_15 = tpu.memref_slice %arg6[%dma_start3A_12, %dma_start3A_13, %dma_start3A_14] : memref<4x800x32xf32, #tpu.memory_space<vmem>> -> memref<1x800x32xf32, #tpu.memory_space<vmem>>
    %dma_start3A_16 = tpu.memref_squeeze %dma_start3A_15 : memref<1x800x32xf32, #tpu.memory_space<vmem>> -> memref<800x32xf32, #tpu.memory_space<vmem>>
    %dma_start3A_17 = arith.constant 800 : i32
    %dma_start3A_18 = tpu.memref_slice %arg5[%dma_start3A_17] : memref<25600xi32, #tpu.memory_space<vmem>> -> memref<800xi32, #tpu.memory_space<vmem>>
    %dma_start3A_19 = arith.constant 0 : i32
    %dma_start3A_20 = arith.constant 0 : i32
    %dma_start3A_21 = tpu.memref_slice %arg3[%dma_start3A_19, %dma_start3A_20] : memref<1001472x32xf32, #tpu.memory_space<hbm>> -> memref<1001472x32xf32, #tpu.memory_space<hbm>>
    tpu.enqueue_indirect_dma source(%dma_start3A_21 : memref<1001472x32xf32, #tpu.memory_space<hbm>>) target(%dma_start3A_16 : memref<800x32xf32, #tpu.memory_space<vmem>>) offsets(%dma_start3A_18 : memref<800xi32, #tpu.memory_space<vmem>>) semaphore(%arg8 : memref<!tpu.dma_semaphore, #tpu.memory_space<semaphore_mem>>)
    %dma_start3A_22 = arith.constant 2 : i32
    %dma_start3A_23 = arith.constant 0 : i32
    %dma_start3A_24 = arith.constant 0 : i32
    %dma_start3A_25 = tpu.memref_slice %arg6[%dma_start3A_22, %dma_start3A_23, %dma_start3A_24] : memref<4x800x32xf32, #tpu.memory_space<vmem>> -> memref<1x800x32xf32, #tpu.memory_space<vmem>>
    %dma_start3A_26 = tpu.memref_squeeze %dma_start3A_25 : memref<1x800x32xf32, #tpu.memory_space<vmem>> -> memref<800x32xf32, #tpu.memory_space<vmem>>
    %dma_start3A_27 = arith.constant 1600 : i32
    %dma_start3A_28 = tpu.memref_slice %arg5[%dma_start3A_27] : memref<25600xi32, #tpu.memory_space<vmem>> -> memref<800xi32, #tpu.memory_space<vmem>>
    %dma_start3A_29 = arith.constant 0 : i32
    %dma_start3A_30 = arith.constant 0 : i32
    %dma_start3A_31 = tpu.memref_slice %arg3[%dma_start3A_29, %dma_start3A_30] : memref<1001472x32xf32, #tpu.memory_space<hbm>> -> memref<1001472x32xf32, #tpu.memory_space<hbm>>
    tpu.enqueue_indirect_dma source(%dma_start3A_31 : memref<1001472x32xf32, #tpu.memory_space<hbm>>) target(%dma_start3A_26 : memref<800x32xf32, #tpu.memory_space<vmem>>) offsets(%dma_start3A_28 : memref<800xi32, #tpu.memory_space<vmem>>) semaphore(%arg9 : memref<!tpu.dma_semaphore, #tpu.memory_space<semaphore_mem>>)
    %dma_start3A_32 = arith.constant 3 : i32
    %dma_start3A_33 = arith.constant 0 : i32
    %dma_start3A_34 = arith.constant 0 : i32
    %dma_start3A_35 = tpu.memref_slice %arg6[%dma_start3A_32, %dma_start3A_33, %dma_start3A_34] : memref<4x800x32xf32, #tpu.memory_space<vmem>> -> memref<1x800x32xf32, #tpu.memory_space<vmem>>
    %dma_start3A_36 = tpu.memref_squeeze %dma_start3A_35 : memref<1x800x32xf32, #tpu.memory_space<vmem>> -> memref<800x32xf32, #tpu.memory_space<vmem>>
    %dma_start3A_37 = arith.constant 2400 : i32
    %dma_start3A_38 = tpu.memref_slice %arg5[%dma_start3A_37] : memref<25600xi32, #tpu.memory_space<vmem>> -> memref<800xi32, #tpu.memory_space<vmem>>
    %dma_start3A_39 = arith.constant 0 : i32
    %dma_start3A_40 = arith.constant 0 : i32
    %dma_start3A_41 = tpu.memref_slice %arg3[%dma_start3A_39, %dma_start3A_40] : memref<1001472x32xf32, #tpu.memory_space<hbm>> -> memref<1001472x32xf32, #tpu.memory_space<hbm>>
    tpu.enqueue_indirect_dma source(%dma_start3A_41 : memref<1001472x32xf32, #tpu.memory_space<hbm>>) target(%dma_start3A_36 : memref<800x32xf32, #tpu.memory_space<vmem>>) offsets(%dma_start3A_38 : memref<800xi32, #tpu.memory_space<vmem>>) semaphore(%arg10 : memref<!tpu.dma_semaphore, #tpu.memory_space<semaphore_mem>>)
    %dma_wait3A = arith.constant 0 : i32
    %dma_wait3A_42 = arith.constant 0 : i32
    %dma_wait3A_43 = arith.constant 0 : i32
    %dma_wait3A_44 = tpu.memref_slice %arg6[%dma_wait3A, %dma_wait3A_42, %dma_wait3A_43] : memref<4x800x32xf32, #tpu.memory_space<vmem>> -> memref<1x800x32xf32, #tpu.memory_space<vmem>>
    %dma_wait3A_45 = tpu.memref_squeeze %dma_wait3A_44 : memref<1x800x32xf32, #tpu.memory_space<vmem>> -> memref<800x32xf32, #tpu.memory_space<vmem>>
    %dma_wait3A_46 = arith.constant 0 : i32
    %dma_wait3A_47 = tpu.memref_slice %arg5[%dma_wait3A_46] : memref<25600xi32, #tpu.memory_space<vmem>> -> memref<800xi32, #tpu.memory_space<vmem>>
    %dma_wait3A_48 = arith.constant 0 : i32
    %dma_wait3A_49 = arith.constant 0 : i32
    %dma_wait3A_50 = tpu.memref_slice %arg3[%dma_wait3A_48, %dma_wait3A_49] : memref<1001472x32xf32, #tpu.memory_space<hbm>> -> memref<1001472x32xf32, #tpu.memory_space<hbm>>
    tpu.wait_indirect_dma semaphore(%arg7 : memref<!tpu.dma_semaphore, #tpu.memory_space<semaphore_mem>>) src(%dma_wait3A_50 : memref<1001472x32xf32, #tpu.memory_space<hbm>>) dst(%dma_wait3A_45 : memref<800x32xf32, #tpu.memory_space<vmem>>)
    %add3A_51 = arith.constant 0 : i32
    %add3A_52 = arith.addi %mul3A_2, %add3A_51 : i32
    %dma_start3A_53 = arith.constant 0 : i32
    %dma_start3A_54 = arith.constant 0 : i32
    %dma_start3A_55 = arith.constant 0 : i32
    %dma_start3A_56 = tpu.memref_slice %arg6[%dma_start3A_53, %dma_start3A_54, %dma_start3A_55] : memref<4x800x32xf32, #tpu.memory_space<vmem>> -> memref<1x800x32xf32, #tpu.memory_space<vmem>>
    %dma_start3A_57 = tpu.memref_squeeze %dma_start3A_56 : memref<1x800x32xf32, #tpu.memory_space<vmem>> -> memref<800x32xf32, #tpu.memory_space<vmem>>
    %dma_start3A_58 = arith.constant 0 : i32
    %dma_start3A_59 = tpu.memref_slice %arg4[%add3A_52, %dma_start3A_58] : memref<819200x32xf32, #tpu.memory_space<hbm>> -> memref<800x32xf32, #tpu.memory_space<hbm>>
    %dma_start3A_60 = arith.constant 0 : i32
    %dma_start3A_61 = tpu.memref_slice %arg4[%add3A_52, %dma_start3A_60] : memref<819200x32xf32, #tpu.memory_space<hbm>> -> memref<800x32xf32, #tpu.memory_space<hbm>>
    %dma_start3A_62 = arith.constant 0 : i32
    %dma_start3A_63 = arith.constant 0 : i32
    %dma_start3A_64 = tpu.memref_slice %arg6[%dma_start3A_53, %dma_start3A_62, %dma_start3A_63] : memref<4x800x32xf32, #tpu.memory_space<vmem>> -> memref<1x800x32xf32, #tpu.memory_space<vmem>>
    %dma_start3A_65 = tpu.memref_squeeze %dma_start3A_64 : memref<1x800x32xf32, #tpu.memory_space<vmem>> -> memref<800x32xf32, #tpu.memory_space<vmem>>
    tpu.enqueue_dma source(%dma_start3A_65 : memref<800x32xf32, #tpu.memory_space<vmem>>) target(%dma_start3A_61 : memref<800x32xf32, #tpu.memory_space<hbm>>) target_semaphore(%arg11 : memref<!tpu.dma_semaphore, #tpu.memory_space<semaphore_mem>>)
    %dma_wait3A_66 = arith.constant 1 : i32
    %dma_wait3A_67 = arith.constant 0 : i32
    %dma_wait3A_68 = arith.constant 0 : i32
    %dma_wait3A_69 = tpu.memref_slice %arg6[%dma_wait3A_66, %dma_wait3A_67, %dma_wait3A_68] : memref<4x800x32xf32, #tpu.memory_space<vmem>> -> memref<1x800x32xf32, #tpu.memory_space<vmem>>
    %dma_wait3A_70 = tpu.memref_squeeze %dma_wait3A_69 : memref<1x800x32xf32, #tpu.memory_space<vmem>> -> memref<800x32xf32, #tpu.memory_space<vmem>>
    %dma_wait3A_71 = arith.constant 0 : i32
    %dma_wait3A_72 = tpu.memref_slice %arg5[%dma_wait3A_71] : memref<25600xi32, #tpu.memory_space<vmem>> -> memref<800xi32, #tpu.memory_space<vmem>>
    %dma_wait3A_73 = arith.constant 0 : i32
    %dma_wait3A_74 = arith.constant 0 : i32
    %dma_wait3A_75 = tpu.memref_slice %arg3[%dma_wait3A_73, %dma_wait3A_74] : memref<1001472x32xf32, #tpu.memory_space<hbm>> -> memref<1001472x32xf32, #tpu.memory_space<hbm>>
    tpu.wait_indirect_dma semaphore(%arg8 : memref<!tpu.dma_semaphore, #tpu.memory_space<semaphore_mem>>) src(%dma_wait3A_75 : memref<1001472x32xf32, #tpu.memory_space<hbm>>) dst(%dma_wait3A_70 : memref<800x32xf32, #tpu.memory_space<vmem>>)
    %add3A_76 = arith.constant 800 : i32
    %add3A_77 = arith.addi %mul3A_2, %add3A_76 : i32
    %dma_start3A_78 = arith.constant 1 : i32
    %dma_start3A_79 = arith.constant 0 : i32
    %dma_start3A_80 = arith.constant 0 : i32
    %dma_start3A_81 = tpu.memref_slice %arg6[%dma_start3A_78, %dma_start3A_79, %dma_start3A_80] : memref<4x800x32xf32, #tpu.memory_space<vmem>> -> memref<1x800x32xf32, #tpu.memory_space<vmem>>
    %dma_start3A_82 = tpu.memref_squeeze %dma_start3A_81 : memref<1x800x32xf32, #tpu.memory_space<vmem>> -> memref<800x32xf32, #tpu.memory_space<vmem>>
    %dma_start3A_83 = arith.constant 0 : i32
    %dma_start3A_84 = tpu.memref_slice %arg4[%add3A_77, %dma_start3A_83] : memref<819200x32xf32, #tpu.memory_space<hbm>> -> memref<800x32xf32, #tpu.memory_space<hbm>>
    %dma_start3A_85 = arith.constant 0 : i32
    %dma_start3A_86 = tpu.memref_slice %arg4[%add3A_77, %dma_start3A_85] : memref<819200x32xf32, #tpu.memory_space<hbm>> -> memref<800x32xf32, #tpu.memory_space<hbm>>
    %dma_start3A_87 = arith.constant 0 : i32
    %dma_start3A_88 = arith.constant 0 : i32
    %dma_start3A_89 = tpu.memref_slice %arg6[%dma_start3A_78, %dma_start3A_87, %dma_start3A_88] : memref<4x800x32xf32, #tpu.memory_space<vmem>> -> memref<1x800x32xf32, #tpu.memory_space<vmem>>
    %dma_start3A_90 = tpu.memref_squeeze %dma_start3A_89 : memref<1x800x32xf32, #tpu.memory_space<vmem>> -> memref<800x32xf32, #tpu.memory_space<vmem>>
    tpu.enqueue_dma source(%dma_start3A_90 : memref<800x32xf32, #tpu.memory_space<vmem>>) target(%dma_start3A_86 : memref<800x32xf32, #tpu.memory_space<hbm>>) target_semaphore(%arg12 : memref<!tpu.dma_semaphore, #tpu.memory_space<semaphore_mem>>)
    %dma_wait3A_91 = arith.constant 2 : i32
    %dma_wait3A_92 = arith.constant 0 : i32
    %dma_wait3A_93 = arith.constant 0 : i32
    %dma_wait3A_94 = tpu.memref_slice %arg6[%dma_wait3A_91, %dma_wait3A_92, %dma_wait3A_93] : memref<4x800x32xf32, #tpu.memory_space<vmem>> -> memref<1x800x32xf32, #tpu.memory_space<vmem>>
    %dma_wait3A_95 = tpu.memref_squeeze %dma_wait3A_94 : memref<1x800x32xf32, #tpu.memory_space<vmem>> -> memref<800x32xf32, #tpu.memory_space<vmem>>
    %dma_wait3A_96 = arith.constant 0 : i32
    %dma_wait3A_97 = tpu.memref_slice %arg5[%dma_wait3A_96] : memref<25600xi32, #tpu.memory_space<vmem>> -> memref<800xi32, #tpu.memory_space<vmem>>
    %dma_wait3A_98 = arith.constant 0 : i32
    %dma_wait3A_99 = arith.constant 0 : i32
    %dma_wait3A_100 = tpu.memref_slice %arg3[%dma_wait3A_98, %dma_wait3A_99] : memref<1001472x32xf32, #tpu.memory_space<hbm>> -> memref<1001472x32xf32, #tpu.memory_space<hbm>>
    tpu.wait_indirect_dma semaphore(%arg9 : memref<!tpu.dma_semaphore, #tpu.memory_space<semaphore_mem>>) src(%dma_wait3A_100 : memref<1001472x32xf32, #tpu.memory_space<hbm>>) dst(%dma_wait3A_95 : memref<800x32xf32, #tpu.memory_space<vmem>>)
    %add3A_101 = arith.constant 1600 : i32
    %add3A_102 = arith.addi %mul3A_2, %add3A_101 : i32
    %dma_start3A_103 = arith.constant 2 : i32
    %dma_start3A_104 = arith.constant 0 : i32
    %dma_start3A_105 = arith.constant 0 : i32
    %dma_start3A_106 = tpu.memref_slice %arg6[%dma_start3A_103, %dma_start3A_104, %dma_start3A_105] : memref<4x800x32xf32, #tpu.memory_space<vmem>> -> memref<1x800x32xf32, #tpu.memory_space<vmem>>
    %dma_start3A_107 = tpu.memref_squeeze %dma_start3A_106 : memref<1x800x32xf32, #tpu.memory_space<vmem>> -> memref<800x32xf32, #tpu.memory_space<vmem>>
    %dma_start3A_108 = arith.constant 0 : i32
    %dma_start3A_109 = tpu.memref_slice %arg4[%add3A_102, %dma_start3A_108] : memref<819200x32xf32, #tpu.memory_space<hbm>> -> memref<800x32xf32, #tpu.memory_space<hbm>>
    %dma_start3A_110 = arith.constant 0 : i32
    %dma_start3A_111 = tpu.memref_slice %arg4[%add3A_102, %dma_start3A_110] : memref<819200x32xf32, #tpu.memory_space<hbm>> -> memref<800x32xf32, #tpu.memory_space<hbm>>
    %dma_start3A_112 = arith.constant 0 : i32
    %dma_start3A_113 = arith.constant 0 : i32
    %dma_start3A_114 = tpu.memref_slice %arg6[%dma_start3A_103, %dma_start3A_112, %dma_start3A_113] : memref<4x800x32xf32, #tpu.memory_space<vmem>> -> memref<1x800x32xf32, #tpu.memory_space<vmem>>
    %dma_start3A_115 = tpu.memref_squeeze %dma_start3A_114 : memref<1x800x32xf32, #tpu.memory_space<vmem>> -> memref<800x32xf32, #tpu.memory_space<vmem>>
    tpu.enqueue_dma source(%dma_start3A_115 : memref<800x32xf32, #tpu.memory_space<vmem>>) target(%dma_start3A_111 : memref<800x32xf32, #tpu.memory_space<hbm>>) target_semaphore(%arg13 : memref<!tpu.dma_semaphore, #tpu.memory_space<semaphore_mem>>)
    %dma_wait3A_116 = arith.constant 3 : i32
    %dma_wait3A_117 = arith.constant 0 : i32
    %dma_wait3A_118 = arith.constant 0 : i32
    %dma_wait3A_119 = tpu.memref_slice %arg6[%dma_wait3A_116, %dma_wait3A_117, %dma_wait3A_118] : memref<4x800x32xf32, #tpu.memory_space<vmem>> -> memref<1x800x32xf32, #tpu.memory_space<vmem>>
    %dma_wait3A_120 = tpu.memref_squeeze %dma_wait3A_119 : memref<1x800x32xf32, #tpu.memory_space<vmem>> -> memref<800x32xf32, #tpu.memory_space<vmem>>
    %dma_wait3A_121 = arith.constant 0 : i32
    %dma_wait3A_122 = tpu.memref_slice %arg5[%dma_wait3A_121] : memref<25600xi32, #tpu.memory_space<vmem>> -> memref<800xi32, #tpu.memory_space<vmem>>
    %dma_wait3A_123 = arith.constant 0 : i32
    %dma_wait3A_124 = arith.constant 0 : i32
    %dma_wait3A_125 = tpu.memref_slice %arg3[%dma_wait3A_123, %dma_wait3A_124] : memref<1001472x32xf32, #tpu.memory_space<hbm>> -> memref<1001472x32xf32, #tpu.memory_space<hbm>>
    tpu.wait_indirect_dma semaphore(%arg10 : memref<!tpu.dma_semaphore, #tpu.memory_space<semaphore_mem>>) src(%dma_wait3A_125 : memref<1001472x32xf32, #tpu.memory_space<hbm>>) dst(%dma_wait3A_120 : memref<800x32xf32, #tpu.memory_space<vmem>>)
    %add3A_126 = arith.constant 2400 : i32
    %add3A_127 = arith.addi %mul3A_2, %add3A_126 : i32
    %dma_start3A_128 = arith.constant 3 : i32
    %dma_start3A_129 = arith.constant 0 : i32
    %dma_start3A_130 = arith.constant 0 : i32
    %dma_start3A_131 = tpu.memref_slice %arg6[%dma_start3A_128, %dma_start3A_129, %dma_start3A_130] : memref<4x800x32xf32, #tpu.memory_space<vmem>> -> memref<1x800x32xf32, #tpu.memory_space<vmem>>
    %dma_start3A_132 = tpu.memref_squeeze %dma_start3A_131 : memref<1x800x32xf32, #tpu.memory_space<vmem>> -> memref<800x32xf32, #tpu.memory_space<vmem>>
    %dma_start3A_133 = arith.constant 0 : i32
    %dma_start3A_134 = tpu.memref_slice %arg4[%add3A_127, %dma_start3A_133] : memref<819200x32xf32, #tpu.memory_space<hbm>> -> memref<800x32xf32, #tpu.memory_space<hbm>>
    %dma_start3A_135 = arith.constant 0 : i32
    %dma_start3A_136 = tpu.memref_slice %arg4[%add3A_127, %dma_start3A_135] : memref<819200x32xf32, #tpu.memory_space<hbm>> -> memref<800x32xf32, #tpu.memory_space<hbm>>
    %dma_start3A_137 = arith.constant 0 : i32
    %dma_start3A_138 = arith.constant 0 : i32
    %dma_start3A_139 = tpu.memref_slice %arg6[%dma_start3A_128, %dma_start3A_137, %dma_start3A_138] : memref<4x800x32xf32, #tpu.memory_space<vmem>> -> memref<1x800x32xf32, #tpu.memory_space<vmem>>
    %dma_start3A_140 = tpu.memref_squeeze %dma_start3A_139 : memref<1x800x32xf32, #tpu.memory_space<vmem>> -> memref<800x32xf32, #tpu.memory_space<vmem>>
    tpu.enqueue_dma source(%dma_start3A_140 : memref<800x32xf32, #tpu.memory_space<vmem>>) target(%dma_start3A_136 : memref<800x32xf32, #tpu.memory_space<hbm>>) target_semaphore(%arg14 : memref<!tpu.dma_semaphore, #tpu.memory_space<semaphore_mem>>)
    %scan3A = arith.constant 0 : i32
    %scan3A_141 = arith.constant 1 : i32
    %scan3A_142 = arith.constant 7 : i32
    %scan3A_143 = arith.addi %scan3A_141, %scan3A_142 : i32
    %scan3A_144 = arith.constant 1 : i32
    scf.for %scan3A_198 = %scan3A_141 to %scan3A_143 step %scan3A_144  : i32 {
      %dma_wait3A_199 = arith.constant 0 : i32
      %dma_wait3A_200 = arith.constant 0 : i32
      %dma_wait3A_201 = arith.constant 0 : i32
      %dma_wait3A_202 = tpu.memref_slice %arg6[%dma_wait3A_199, %dma_wait3A_200, %dma_wait3A_201] : memref<4x800x32xf32, #tpu.memory_space<vmem>> -> memref<1x800x32xf32, #tpu.memory_space<vmem>>
      %dma_wait3A_203 = tpu.memref_squeeze %dma_wait3A_202 : memref<1x800x32xf32, #tpu.memory_space<vmem>> -> memref<800x32xf32, #tpu.memory_space<vmem>>
      %dma_wait3A_204 = arith.constant 0 : i32
      %dma_wait3A_205 = tpu.memref_slice %arg4[%mul3A_2, %dma_wait3A_204] : memref<819200x32xf32, #tpu.memory_space<hbm>> -> memref<800x32xf32, #tpu.memory_space<hbm>>
      %dma_wait3A_206 = arith.constant 0 : i32
      %dma_wait3A_207 = tpu.memref_slice %arg4[%mul3A_2, %dma_wait3A_206] : memref<819200x32xf32, #tpu.memory_space<hbm>> -> memref<800x32xf32, #tpu.memory_space<hbm>>
      %dma_wait3A_208 = arith.constant 0 : i32
      %dma_wait3A_209 = arith.constant 0 : i32
      %dma_wait3A_210 = tpu.memref_slice %arg6[%dma_wait3A_199, %dma_wait3A_208, %dma_wait3A_209] : memref<4x800x32xf32, #tpu.memory_space<vmem>> -> memref<1x800x32xf32, #tpu.memory_space<vmem>>
      %dma_wait3A_211 = tpu.memref_squeeze %dma_wait3A_210 : memref<1x800x32xf32, #tpu.memory_space<vmem>> -> memref<800x32xf32, #tpu.memory_space<vmem>>
      tpu.wait_dma2 semaphore(%arg11 : memref<!tpu.dma_semaphore, #tpu.memory_space<semaphore_mem>>) src(%dma_wait3A_211 : memref<800x32xf32, #tpu.memory_space<vmem>>) dst(%dma_wait3A_207 : memref<800x32xf32, #tpu.memory_space<hbm>>)
      %mul3A_212 = arith.constant 4 : i32
      %mul3A_213 = arith.muli %mul3A_212, %scan3A_198 : i32
      %add3A_214 = arith.constant 0 : i32
      %add3A_215 = arith.addi %mul3A_213, %add3A_214 : i32
      %mul3A_216 = arith.constant 800 : i32
      %mul3A_217 = arith.muli %add3A_215, %mul3A_216 : i32
      %dma_start3A_218 = arith.constant 0 : i32
      %dma_start3A_219 = arith.constant 0 : i32
      %dma_start3A_220 = arith.constant 0 : i32
      %dma_start3A_221 = tpu.memref_slice %arg6[%dma_start3A_218, %dma_start3A_219, %dma_start3A_220] : memref<4x800x32xf32, #tpu.memory_space<vmem>> -> memref<1x800x32xf32, #tpu.memory_space<vmem>>
      %dma_start3A_222 = tpu.memref_squeeze %dma_start3A_221 : memref<1x800x32xf32, #tpu.memory_space<vmem>> -> memref<800x32xf32, #tpu.memory_space<vmem>>
      %dma_start3A_223 = tpu.memref_slice %arg5[%mul3A_217] : memref<25600xi32, #tpu.memory_space<vmem>> -> memref<800xi32, #tpu.memory_space<vmem>>
      %dma_start3A_224 = arith.constant 0 : i32
      %dma_start3A_225 = arith.constant 0 : i32
      %dma_start3A_226 = tpu.memref_slice %arg3[%dma_start3A_224, %dma_start3A_225] : memref<1001472x32xf32, #tpu.memory_space<hbm>> -> memref<1001472x32xf32, #tpu.memory_space<hbm>>
      tpu.enqueue_indirect_dma source(%dma_start3A_226 : memref<1001472x32xf32, #tpu.memory_space<hbm>>) target(%dma_start3A_222 : memref<800x32xf32, #tpu.memory_space<vmem>>) offsets(%dma_start3A_223 : memref<800xi32, #tpu.memory_space<vmem>>) semaphore(%arg7 : memref<!tpu.dma_semaphore, #tpu.memory_space<semaphore_mem>>)
      %dma_wait3A_227 = arith.constant 1 : i32
      %dma_wait3A_228 = arith.constant 0 : i32
      %dma_wait3A_229 = arith.constant 0 : i32
      %dma_wait3A_230 = tpu.memref_slice %arg6[%dma_wait3A_227, %dma_wait3A_228, %dma_wait3A_229] : memref<4x800x32xf32, #tpu.memory_space<vmem>> -> memref<1x800x32xf32, #tpu.memory_space<vmem>>
      %dma_wait3A_231 = tpu.memref_squeeze %dma_wait3A_230 : memref<1x800x32xf32, #tpu.memory_space<vmem>> -> memref<800x32xf32, #tpu.memory_space<vmem>>
      %dma_wait3A_232 = arith.constant 0 : i32
      %dma_wait3A_233 = tpu.memref_slice %arg4[%mul3A_2, %dma_wait3A_232] : memref<819200x32xf32, #tpu.memory_space<hbm>> -> memref<800x32xf32, #tpu.memory_space<hbm>>
      %dma_wait3A_234 = arith.constant 0 : i32
      %dma_wait3A_235 = tpu.memref_slice %arg4[%mul3A_2, %dma_wait3A_234] : memref<819200x32xf32, #tpu.memory_space<hbm>> -> memref<800x32xf32, #tpu.memory_space<hbm>>
      %dma_wait3A_236 = arith.constant 0 : i32
      %dma_wait3A_237 = arith.constant 0 : i32
      %dma_wait3A_238 = tpu.memref_slice %arg6[%dma_wait3A_227, %dma_wait3A_236, %dma_wait3A_237] : memref<4x800x32xf32, #tpu.memory_space<vmem>> -> memref<1x800x32xf32, #tpu.memory_space<vmem>>
      %dma_wait3A_239 = tpu.memref_squeeze %dma_wait3A_238 : memref<1x800x32xf32, #tpu.memory_space<vmem>> -> memref<800x32xf32, #tpu.memory_space<vmem>>
      tpu.wait_dma2 semaphore(%arg12 : memref<!tpu.dma_semaphore, #tpu.memory_space<semaphore_mem>>) src(%dma_wait3A_239 : memref<800x32xf32, #tpu.memory_space<vmem>>) dst(%dma_wait3A_235 : memref<800x32xf32, #tpu.memory_space<hbm>>)
      %mul3A_240 = arith.constant 4 : i32
      %mul3A_241 = arith.muli %mul3A_240, %scan3A_198 : i32
      %add3A_242 = arith.constant 1 : i32
      %add3A_243 = arith.addi %mul3A_241, %add3A_242 : i32
      %mul3A_244 = arith.constant 800 : i32
      %mul3A_245 = arith.muli %add3A_243, %mul3A_244 : i32
      %dma_start3A_246 = arith.constant 1 : i32
      %dma_start3A_247 = arith.constant 0 : i32
      %dma_start3A_248 = arith.constant 0 : i32
      %dma_start3A_249 = tpu.memref_slice %arg6[%dma_start3A_246, %dma_start3A_247, %dma_start3A_248] : memref<4x800x32xf32, #tpu.memory_space<vmem>> -> memref<1x800x32xf32, #tpu.memory_space<vmem>>
      %dma_start3A_250 = tpu.memref_squeeze %dma_start3A_249 : memref<1x800x32xf32, #tpu.memory_space<vmem>> -> memref<800x32xf32, #tpu.memory_space<vmem>>
      %dma_start3A_251 = tpu.memref_slice %arg5[%mul3A_245] : memref<25600xi32, #tpu.memory_space<vmem>> -> memref<800xi32, #tpu.memory_space<vmem>>
      %dma_start3A_252 = arith.constant 0 : i32
      %dma_start3A_253 = arith.constant 0 : i32
      %dma_start3A_254 = tpu.memref_slice %arg3[%dma_start3A_252, %dma_start3A_253] : memref<1001472x32xf32, #tpu.memory_space<hbm>> -> memref<1001472x32xf32, #tpu.memory_space<hbm>>
      tpu.enqueue_indirect_dma source(%dma_start3A_254 : memref<1001472x32xf32, #tpu.memory_space<hbm>>) target(%dma_start3A_250 : memref<800x32xf32, #tpu.memory_space<vmem>>) offsets(%dma_start3A_251 : memref<800xi32, #tpu.memory_space<vmem>>) semaphore(%arg8 : memref<!tpu.dma_semaphore, #tpu.memory_space<semaphore_mem>>)
      %dma_wait3A_255 = arith.constant 2 : i32
      %dma_wait3A_256 = arith.constant 0 : i32
      %dma_wait3A_257 = arith.constant 0 : i32
      %dma_wait3A_258 = tpu.memref_slice %arg6[%dma_wait3A_255, %dma_wait3A_256, %dma_wait3A_257] : memref<4x800x32xf32, #tpu.memory_space<vmem>> -> memref<1x800x32xf32, #tpu.memory_space<vmem>>
      %dma_wait3A_259 = tpu.memref_squeeze %dma_wait3A_258 : memref<1x800x32xf32, #tpu.memory_space<vmem>> -> memref<800x32xf32, #tpu.memory_space<vmem>>
      %dma_wait3A_260 = arith.constant 0 : i32
      %dma_wait3A_261 = tpu.memref_slice %arg4[%mul3A_2, %dma_wait3A_260] : memref<819200x32xf32, #tpu.memory_space<hbm>> -> memref<800x32xf32, #tpu.memory_space<hbm>>
      %dma_wait3A_262 = arith.constant 0 : i32
      %dma_wait3A_263 = tpu.memref_slice %arg4[%mul3A_2, %dma_wait3A_262] : memref<819200x32xf32, #tpu.memory_space<hbm>> -> memref<800x32xf32, #tpu.memory_space<hbm>>
      %dma_wait3A_264 = arith.constant 0 : i32
      %dma_wait3A_265 = arith.constant 0 : i32
      %dma_wait3A_266 = tpu.memref_slice %arg6[%dma_wait3A_255, %dma_wait3A_264, %dma_wait3A_265] : memref<4x800x32xf32, #tpu.memory_space<vmem>> -> memref<1x800x32xf32, #tpu.memory_space<vmem>>
      %dma_wait3A_267 = tpu.memref_squeeze %dma_wait3A_266 : memref<1x800x32xf32, #tpu.memory_space<vmem>> -> memref<800x32xf32, #tpu.memory_space<vmem>>
      tpu.wait_dma2 semaphore(%arg13 : memref<!tpu.dma_semaphore, #tpu.memory_space<semaphore_mem>>) src(%dma_wait3A_267 : memref<800x32xf32, #tpu.memory_space<vmem>>) dst(%dma_wait3A_263 : memref<800x32xf32, #tpu.memory_space<hbm>>)
      %mul3A_268 = arith.constant 4 : i32
      %mul3A_269 = arith.muli %mul3A_268, %scan3A_198 : i32
      %add3A_270 = arith.constant 2 : i32
      %add3A_271 = arith.addi %mul3A_269, %add3A_270 : i32
      %mul3A_272 = arith.constant 800 : i32
      %mul3A_273 = arith.muli %add3A_271, %mul3A_272 : i32
      %dma_start3A_274 = arith.constant 2 : i32
      %dma_start3A_275 = arith.constant 0 : i32
      %dma_start3A_276 = arith.constant 0 : i32
      %dma_start3A_277 = tpu.memref_slice %arg6[%dma_start3A_274, %dma_start3A_275, %dma_start3A_276] : memref<4x800x32xf32, #tpu.memory_space<vmem>> -> memref<1x800x32xf32, #tpu.memory_space<vmem>>
      %dma_start3A_278 = tpu.memref_squeeze %dma_start3A_277 : memref<1x800x32xf32, #tpu.memory_space<vmem>> -> memref<800x32xf32, #tpu.memory_space<vmem>>
      %dma_start3A_279 = tpu.memref_slice %arg5[%mul3A_273] : memref<25600xi32, #tpu.memory_space<vmem>> -> memref<800xi32, #tpu.memory_space<vmem>>
      %dma_start3A_280 = arith.constant 0 : i32
      %dma_start3A_281 = arith.constant 0 : i32
      %dma_start3A_282 = tpu.memref_slice %arg3[%dma_start3A_280, %dma_start3A_281] : memref<1001472x32xf32, #tpu.memory_space<hbm>> -> memref<1001472x32xf32, #tpu.memory_space<hbm>>
      tpu.enqueue_indirect_dma source(%dma_start3A_282 : memref<1001472x32xf32, #tpu.memory_space<hbm>>) target(%dma_start3A_278 : memref<800x32xf32, #tpu.memory_space<vmem>>) offsets(%dma_start3A_279 : memref<800xi32, #tpu.memory_space<vmem>>) semaphore(%arg9 : memref<!tpu.dma_semaphore, #tpu.memory_space<semaphore_mem>>)
      %dma_wait3A_283 = arith.constant 3 : i32
      %dma_wait3A_284 = arith.constant 0 : i32
      %dma_wait3A_285 = arith.constant 0 : i32
      %dma_wait3A_286 = tpu.memref_slice %arg6[%dma_wait3A_283, %dma_wait3A_284, %dma_wait3A_285] : memref<4x800x32xf32, #tpu.memory_space<vmem>> -> memref<1x800x32xf32, #tpu.memory_space<vmem>>
      %dma_wait3A_287 = tpu.memref_squeeze %dma_wait3A_286 : memref<1x800x32xf32, #tpu.memory_space<vmem>> -> memref<800x32xf32, #tpu.memory_space<vmem>>
      %dma_wait3A_288 = arith.constant 0 : i32
      %dma_wait3A_289 = tpu.memref_slice %arg4[%mul3A_2, %dma_wait3A_288] : memref<819200x32xf32, #tpu.memory_space<hbm>> -> memref<800x32xf32, #tpu.memory_space<hbm>>
      %dma_wait3A_290 = arith.constant 0 : i32
      %dma_wait3A_291 = tpu.memref_slice %arg4[%mul3A_2, %dma_wait3A_290] : memref<819200x32xf32, #tpu.memory_space<hbm>> -> memref<800x32xf32, #tpu.memory_space<hbm>>
      %dma_wait3A_292 = arith.constant 0 : i32
      %dma_wait3A_293 = arith.constant 0 : i32
      %dma_wait3A_294 = tpu.memref_slice %arg6[%dma_wait3A_283, %dma_wait3A_292, %dma_wait3A_293] : memref<4x800x32xf32, #tpu.memory_space<vmem>> -> memref<1x800x32xf32, #tpu.memory_space<vmem>>
      %dma_wait3A_295 = tpu.memref_squeeze %dma_wait3A_294 : memref<1x800x32xf32, #tpu.memory_space<vmem>> -> memref<800x32xf32, #tpu.memory_space<vmem>>
      tpu.wait_dma2 semaphore(%arg14 : memref<!tpu.dma_semaphore, #tpu.memory_space<semaphore_mem>>) src(%dma_wait3A_295 : memref<800x32xf32, #tpu.memory_space<vmem>>) dst(%dma_wait3A_291 : memref<800x32xf32, #tpu.memory_space<hbm>>)
      %mul3A_296 = arith.constant 4 : i32
      %mul3A_297 = arith.muli %mul3A_296, %scan3A_198 : i32
      %add3A_298 = arith.constant 3 : i32
      %add3A_299 = arith.addi %mul3A_297, %add3A_298 : i32
      %mul3A_300 = arith.constant 800 : i32
      %mul3A_301 = arith.muli %add3A_299, %mul3A_300 : i32
      %dma_start3A_302 = arith.constant 3 : i32
      %dma_start3A_303 = arith.constant 0 : i32
      %dma_start3A_304 = arith.constant 0 : i32
      %dma_start3A_305 = tpu.memref_slice %arg6[%dma_start3A_302, %dma_start3A_303, %dma_start3A_304] : memref<4x800x32xf32, #tpu.memory_space<vmem>> -> memref<1x800x32xf32, #tpu.memory_space<vmem>>
      %dma_start3A_306 = tpu.memref_squeeze %dma_start3A_305 : memref<1x800x32xf32, #tpu.memory_space<vmem>> -> memref<800x32xf32, #tpu.memory_space<vmem>>
      %dma_start3A_307 = tpu.memref_slice %arg5[%mul3A_301] : memref<25600xi32, #tpu.memory_space<vmem>> -> memref<800xi32, #tpu.memory_space<vmem>>
      %dma_start3A_308 = arith.constant 0 : i32
      %dma_start3A_309 = arith.constant 0 : i32
      %dma_start3A_310 = tpu.memref_slice %arg3[%dma_start3A_308, %dma_start3A_309] : memref<1001472x32xf32, #tpu.memory_space<hbm>> -> memref<1001472x32xf32, #tpu.memory_space<hbm>>
      tpu.enqueue_indirect_dma source(%dma_start3A_310 : memref<1001472x32xf32, #tpu.memory_space<hbm>>) target(%dma_start3A_306 : memref<800x32xf32, #tpu.memory_space<vmem>>) offsets(%dma_start3A_307 : memref<800xi32, #tpu.memory_space<vmem>>) semaphore(%arg10 : memref<!tpu.dma_semaphore, #tpu.memory_space<semaphore_mem>>)
      %dma_wait3A_311 = arith.constant 0 : i32
      %dma_wait3A_312 = arith.constant 0 : i32
      %dma_wait3A_313 = arith.constant 0 : i32
      %dma_wait3A_314 = tpu.memref_slice %arg6[%dma_wait3A_311, %dma_wait3A_312, %dma_wait3A_313] : memref<4x800x32xf32, #tpu.memory_space<vmem>> -> memref<1x800x32xf32, #tpu.memory_space<vmem>>
      %dma_wait3A_315 = tpu.memref_squeeze %dma_wait3A_314 : memref<1x800x32xf32, #tpu.memory_space<vmem>> -> memref<800x32xf32, #tpu.memory_space<vmem>>
      %dma_wait3A_316 = arith.constant 0 : i32
      %dma_wait3A_317 = tpu.memref_slice %arg5[%dma_wait3A_316] : memref<25600xi32, #tpu.memory_space<vmem>> -> memref<800xi32, #tpu.memory_space<vmem>>
      %dma_wait3A_318 = arith.constant 0 : i32
      %dma_wait3A_319 = arith.constant 0 : i32
      %dma_wait3A_320 = tpu.memref_slice %arg3[%dma_wait3A_318, %dma_wait3A_319] : memref<1001472x32xf32, #tpu.memory_space<hbm>> -> memref<1001472x32xf32, #tpu.memory_space<hbm>>
      tpu.wait_indirect_dma semaphore(%arg7 : memref<!tpu.dma_semaphore, #tpu.memory_space<semaphore_mem>>) src(%dma_wait3A_320 : memref<1001472x32xf32, #tpu.memory_space<hbm>>) dst(%dma_wait3A_315 : memref<800x32xf32, #tpu.memory_space<vmem>>)
      %mul3A_321 = arith.constant 4 : i32
      %mul3A_322 = arith.muli %mul3A_321, %scan3A_198 : i32
      %add3A_323 = arith.constant 0 : i32
      %add3A_324 = arith.addi %mul3A_322, %add3A_323 : i32
      %mul3A_325 = arith.constant 800 : i32
      %mul3A_326 = arith.muli %add3A_324, %mul3A_325 : i32
      %add3A_327 = arith.addi %mul3A_2, %mul3A_326 : i32
      %dma_start3A_328 = arith.constant 0 : i32
      %dma_start3A_329 = arith.constant 0 : i32
      %dma_start3A_330 = arith.constant 0 : i32
      %dma_start3A_331 = tpu.memref_slice %arg6[%dma_start3A_328, %dma_start3A_329, %dma_start3A_330] : memref<4x800x32xf32, #tpu.memory_space<vmem>> -> memref<1x800x32xf32, #tpu.memory_space<vmem>>
      %dma_start3A_332 = tpu.memref_squeeze %dma_start3A_331 : memref<1x800x32xf32, #tpu.memory_space<vmem>> -> memref<800x32xf32, #tpu.memory_space<vmem>>
      %dma_start3A_333 = arith.constant 0 : i32
      %dma_start3A_334 = tpu.memref_slice %arg4[%add3A_327, %dma_start3A_333] : memref<819200x32xf32, #tpu.memory_space<hbm>> -> memref<800x32xf32, #tpu.memory_space<hbm>>
      %dma_start3A_335 = arith.constant 0 : i32
      %dma_start3A_336 = tpu.memref_slice %arg4[%add3A_327, %dma_start3A_335] : memref<819200x32xf32, #tpu.memory_space<hbm>> -> memref<800x32xf32, #tpu.memory_space<hbm>>
      %dma_start3A_337 = arith.constant 0 : i32
      %dma_start3A_338 = arith.constant 0 : i32
      %dma_start3A_339 = tpu.memref_slice %arg6[%dma_start3A_328, %dma_start3A_337, %dma_start3A_338] : memref<4x800x32xf32, #tpu.memory_space<vmem>> -> memref<1x800x32xf32, #tpu.memory_space<vmem>>
      %dma_start3A_340 = tpu.memref_squeeze %dma_start3A_339 : memref<1x800x32xf32, #tpu.memory_space<vmem>> -> memref<800x32xf32, #tpu.memory_space<vmem>>
      tpu.enqueue_dma source(%dma_start3A_340 : memref<800x32xf32, #tpu.memory_space<vmem>>) target(%dma_start3A_336 : memref<800x32xf32, #tpu.memory_space<hbm>>) target_semaphore(%arg11 : memref<!tpu.dma_semaphore, #tpu.memory_space<semaphore_mem>>)
      %dma_wait3A_341 = arith.constant 1 : i32
      %dma_wait3A_342 = arith.constant 0 : i32
      %dma_wait3A_343 = arith.constant 0 : i32
      %dma_wait3A_344 = tpu.memref_slice %arg6[%dma_wait3A_341, %dma_wait3A_342, %dma_wait3A_343] : memref<4x800x32xf32, #tpu.memory_space<vmem>> -> memref<1x800x32xf32, #tpu.memory_space<vmem>>
      %dma_wait3A_345 = tpu.memref_squeeze %dma_wait3A_344 : memref<1x800x32xf32, #tpu.memory_space<vmem>> -> memref<800x32xf32, #tpu.memory_space<vmem>>
      %dma_wait3A_346 = arith.constant 0 : i32
      %dma_wait3A_347 = tpu.memref_slice %arg5[%dma_wait3A_346] : memref<25600xi32, #tpu.memory_space<vmem>> -> memref<800xi32, #tpu.memory_space<vmem>>
      %dma_wait3A_348 = arith.constant 0 : i32
      %dma_wait3A_349 = arith.constant 0 : i32
      %dma_wait3A_350 = tpu.memref_slice %arg3[%dma_wait3A_348, %dma_wait3A_349] : memref<1001472x32xf32, #tpu.memory_space<hbm>> -> memref<1001472x32xf32, #tpu.memory_space<hbm>>
      tpu.wait_indirect_dma semaphore(%arg8 : memref<!tpu.dma_semaphore, #tpu.memory_space<semaphore_mem>>) src(%dma_wait3A_350 : memref<1001472x32xf32, #tpu.memory_space<hbm>>) dst(%dma_wait3A_345 : memref<800x32xf32, #tpu.memory_space<vmem>>)
      %mul3A_351 = arith.constant 4 : i32
      %mul3A_352 = arith.muli %mul3A_351, %scan3A_198 : i32
      %add3A_353 = arith.constant 1 : i32
      %add3A_354 = arith.addi %mul3A_352, %add3A_353 : i32
      %mul3A_355 = arith.constant 800 : i32
      %mul3A_356 = arith.muli %add3A_354, %mul3A_355 : i32
      %add3A_357 = arith.addi %mul3A_2, %mul3A_356 : i32
      %dma_start3A_358 = arith.constant 1 : i32
      %dma_start3A_359 = arith.constant 0 : i32
      %dma_start3A_360 = arith.constant 0 : i32
      %dma_start3A_361 = tpu.memref_slice %arg6[%dma_start3A_358, %dma_start3A_359, %dma_start3A_360] : memref<4x800x32xf32, #tpu.memory_space<vmem>> -> memref<1x800x32xf32, #tpu.memory_space<vmem>>
      %dma_start3A_362 = tpu.memref_squeeze %dma_start3A_361 : memref<1x800x32xf32, #tpu.memory_space<vmem>> -> memref<800x32xf32, #tpu.memory_space<vmem>>
      %dma_start3A_363 = arith.constant 0 : i32
      %dma_start3A_364 = tpu.memref_slice %arg4[%add3A_357, %dma_start3A_363] : memref<819200x32xf32, #tpu.memory_space<hbm>> -> memref<800x32xf32, #tpu.memory_space<hbm>>
      %dma_start3A_365 = arith.constant 0 : i32
      %dma_start3A_366 = tpu.memref_slice %arg4[%add3A_357, %dma_start3A_365] : memref<819200x32xf32, #tpu.memory_space<hbm>> -> memref<800x32xf32, #tpu.memory_space<hbm>>
      %dma_start3A_367 = arith.constant 0 : i32
      %dma_start3A_368 = arith.constant 0 : i32
      %dma_start3A_369 = tpu.memref_slice %arg6[%dma_start3A_358, %dma_start3A_367, %dma_start3A_368] : memref<4x800x32xf32, #tpu.memory_space<vmem>> -> memref<1x800x32xf32, #tpu.memory_space<vmem>>
      %dma_start3A_370 = tpu.memref_squeeze %dma_start3A_369 : memref<1x800x32xf32, #tpu.memory_space<vmem>> -> memref<800x32xf32, #tpu.memory_space<vmem>>
      tpu.enqueue_dma source(%dma_start3A_370 : memref<800x32xf32, #tpu.memory_space<vmem>>) target(%dma_start3A_366 : memref<800x32xf32, #tpu.memory_space<hbm>>) target_semaphore(%arg12 : memref<!tpu.dma_semaphore, #tpu.memory_space<semaphore_mem>>)
      %dma_wait3A_371 = arith.constant 2 : i32
      %dma_wait3A_372 = arith.constant 0 : i32
      %dma_wait3A_373 = arith.constant 0 : i32
      %dma_wait3A_374 = tpu.memref_slice %arg6[%dma_wait3A_371, %dma_wait3A_372, %dma_wait3A_373] : memref<4x800x32xf32, #tpu.memory_space<vmem>> -> memref<1x800x32xf32, #tpu.memory_space<vmem>>
      %dma_wait3A_375 = tpu.memref_squeeze %dma_wait3A_374 : memref<1x800x32xf32, #tpu.memory_space<vmem>> -> memref<800x32xf32, #tpu.memory_space<vmem>>
      %dma_wait3A_376 = arith.constant 0 : i32
      %dma_wait3A_377 = tpu.memref_slice %arg5[%dma_wait3A_376] : memref<25600xi32, #tpu.memory_space<vmem>> -> memref<800xi32, #tpu.memory_space<vmem>>
      %dma_wait3A_378 = arith.constant 0 : i32
      %dma_wait3A_379 = arith.constant 0 : i32
      %dma_wait3A_380 = tpu.memref_slice %arg3[%dma_wait3A_378, %dma_wait3A_379] : memref<1001472x32xf32, #tpu.memory_space<hbm>> -> memref<1001472x32xf32, #tpu.memory_space<hbm>>
      tpu.wait_indirect_dma semaphore(%arg9 : memref<!tpu.dma_semaphore, #tpu.memory_space<semaphore_mem>>) src(%dma_wait3A_380 : memref<1001472x32xf32, #tpu.memory_space<hbm>>) dst(%dma_wait3A_375 : memref<800x32xf32, #tpu.memory_space<vmem>>)
      %mul3A_381 = arith.constant 4 : i32
      %mul3A_382 = arith.muli %mul3A_381, %scan3A_198 : i32
      %add3A_383 = arith.constant 2 : i32
      %add3A_384 = arith.addi %mul3A_382, %add3A_383 : i32
      %mul3A_385 = arith.constant 800 : i32
      %mul3A_386 = arith.muli %add3A_384, %mul3A_385 : i32
      %add3A_387 = arith.addi %mul3A_2, %mul3A_386 : i32
      %dma_start3A_388 = arith.constant 2 : i32
      %dma_start3A_389 = arith.constant 0 : i32
      %dma_start3A_390 = arith.constant 0 : i32
      %dma_start3A_391 = tpu.memref_slice %arg6[%dma_start3A_388, %dma_start3A_389, %dma_start3A_390] : memref<4x800x32xf32, #tpu.memory_space<vmem>> -> memref<1x800x32xf32, #tpu.memory_space<vmem>>
      %dma_start3A_392 = tpu.memref_squeeze %dma_start3A_391 : memref<1x800x32xf32, #tpu.memory_space<vmem>> -> memref<800x32xf32, #tpu.memory_space<vmem>>
      %dma_start3A_393 = arith.constant 0 : i32
      %dma_start3A_394 = tpu.memref_slice %arg4[%add3A_387, %dma_start3A_393] : memref<819200x32xf32, #tpu.memory_space<hbm>> -> memref<800x32xf32, #tpu.memory_space<hbm>>
      %dma_start3A_395 = arith.constant 0 : i32
      %dma_start3A_396 = tpu.memref_slice %arg4[%add3A_387, %dma_start3A_395] : memref<819200x32xf32, #tpu.memory_space<hbm>> -> memref<800x32xf32, #tpu.memory_space<hbm>>
      %dma_start3A_397 = arith.constant 0 : i32
      %dma_start3A_398 = arith.constant 0 : i32
      %dma_start3A_399 = tpu.memref_slice %arg6[%dma_start3A_388, %dma_start3A_397, %dma_start3A_398] : memref<4x800x32xf32, #tpu.memory_space<vmem>> -> memref<1x800x32xf32, #tpu.memory_space<vmem>>
      %dma_start3A_400 = tpu.memref_squeeze %dma_start3A_399 : memref<1x800x32xf32, #tpu.memory_space<vmem>> -> memref<800x32xf32, #tpu.memory_space<vmem>>
      tpu.enqueue_dma source(%dma_start3A_400 : memref<800x32xf32, #tpu.memory_space<vmem>>) target(%dma_start3A_396 : memref<800x32xf32, #tpu.memory_space<hbm>>) target_semaphore(%arg13 : memref<!tpu.dma_semaphore, #tpu.memory_space<semaphore_mem>>)
      %dma_wait3A_401 = arith.constant 3 : i32
      %dma_wait3A_402 = arith.constant 0 : i32
      %dma_wait3A_403 = arith.constant 0 : i32
      %dma_wait3A_404 = tpu.memref_slice %arg6[%dma_wait3A_401, %dma_wait3A_402, %dma_wait3A_403] : memref<4x800x32xf32, #tpu.memory_space<vmem>> -> memref<1x800x32xf32, #tpu.memory_space<vmem>>
      %dma_wait3A_405 = tpu.memref_squeeze %dma_wait3A_404 : memref<1x800x32xf32, #tpu.memory_space<vmem>> -> memref<800x32xf32, #tpu.memory_space<vmem>>
      %dma_wait3A_406 = arith.constant 0 : i32
      %dma_wait3A_407 = tpu.memref_slice %arg5[%dma_wait3A_406] : memref<25600xi32, #tpu.memory_space<vmem>> -> memref<800xi32, #tpu.memory_space<vmem>>
      %dma_wait3A_408 = arith.constant 0 : i32
      %dma_wait3A_409 = arith.constant 0 : i32
      %dma_wait3A_410 = tpu.memref_slice %arg3[%dma_wait3A_408, %dma_wait3A_409] : memref<1001472x32xf32, #tpu.memory_space<hbm>> -> memref<1001472x32xf32, #tpu.memory_space<hbm>>
      tpu.wait_indirect_dma semaphore(%arg10 : memref<!tpu.dma_semaphore, #tpu.memory_space<semaphore_mem>>) src(%dma_wait3A_410 : memref<1001472x32xf32, #tpu.memory_space<hbm>>) dst(%dma_wait3A_405 : memref<800x32xf32, #tpu.memory_space<vmem>>)
      %mul3A_411 = arith.constant 4 : i32
      %mul3A_412 = arith.muli %mul3A_411, %scan3A_198 : i32
      %add3A_413 = arith.constant 3 : i32
      %add3A_414 = arith.addi %mul3A_412, %add3A_413 : i32
      %mul3A_415 = arith.constant 800 : i32
      %mul3A_416 = arith.muli %add3A_414, %mul3A_415 : i32
      %add3A_417 = arith.addi %mul3A_2, %mul3A_416 : i32
      %dma_start3A_418 = arith.constant 3 : i32
      %dma_start3A_419 = arith.constant 0 : i32
      %dma_start3A_420 = arith.constant 0 : i32
      %dma_start3A_421 = tpu.memref_slice %arg6[%dma_start3A_418, %dma_start3A_419, %dma_start3A_420] : memref<4x800x32xf32, #tpu.memory_space<vmem>> -> memref<1x800x32xf32, #tpu.memory_space<vmem>>
      %dma_start3A_422 = tpu.memref_squeeze %dma_start3A_421 : memref<1x800x32xf32, #tpu.memory_space<vmem>> -> memref<800x32xf32, #tpu.memory_space<vmem>>
      %dma_start3A_423 = arith.constant 0 : i32
      %dma_start3A_424 = tpu.memref_slice %arg4[%add3A_417, %dma_start3A_423] : memref<819200x32xf32, #tpu.memory_space<hbm>> -> memref<800x32xf32, #tpu.memory_space<hbm>>
      %dma_start3A_425 = arith.constant 0 : i32
      %dma_start3A_426 = tpu.memref_slice %arg4[%add3A_417, %dma_start3A_425] : memref<819200x32xf32, #tpu.memory_space<hbm>> -> memref<800x32xf32, #tpu.memory_space<hbm>>
      %dma_start3A_427 = arith.constant 0 : i32
      %dma_start3A_428 = arith.constant 0 : i32
      %dma_start3A_429 = tpu.memref_slice %arg6[%dma_start3A_418, %dma_start3A_427, %dma_start3A_428] : memref<4x800x32xf32, #tpu.memory_space<vmem>> -> memref<1x800x32xf32, #tpu.memory_space<vmem>>
      %dma_start3A_430 = tpu.memref_squeeze %dma_start3A_429 : memref<1x800x32xf32, #tpu.memory_space<vmem>> -> memref<800x32xf32, #tpu.memory_space<vmem>>
      tpu.enqueue_dma source(%dma_start3A_430 : memref<800x32xf32, #tpu.memory_space<vmem>>) target(%dma_start3A_426 : memref<800x32xf32, #tpu.memory_space<hbm>>) target_semaphore(%arg14 : memref<!tpu.dma_semaphore, #tpu.memory_space<semaphore_mem>>)
    }
    %scan3A_145 = arith.constant 7 : i32
    %dma_wait3A_146 = arith.constant 0 : i32
    %dma_wait3A_147 = arith.constant 0 : i32
    %dma_wait3A_148 = arith.constant 0 : i32
    %dma_wait3A_149 = tpu.memref_slice %arg6[%dma_wait3A_146, %dma_wait3A_147, %dma_wait3A_148] : memref<4x800x32xf32, #tpu.memory_space<vmem>> -> memref<1x800x32xf32, #tpu.memory_space<vmem>>
    %dma_wait3A_150 = tpu.memref_squeeze %dma_wait3A_149 : memref<1x800x32xf32, #tpu.memory_space<vmem>> -> memref<800x32xf32, #tpu.memory_space<vmem>>
    %dma_wait3A_151 = arith.constant 0 : i32
    %dma_wait3A_152 = tpu.memref_slice %arg4[%mul3A_2, %dma_wait3A_151] : memref<819200x32xf32, #tpu.memory_space<hbm>> -> memref<800x32xf32, #tpu.memory_space<hbm>>
    %dma_wait3A_153 = arith.constant 0 : i32
    %dma_wait3A_154 = tpu.memref_slice %arg4[%mul3A_2, %dma_wait3A_153] : memref<819200x32xf32, #tpu.memory_space<hbm>> -> memref<800x32xf32, #tpu.memory_space<hbm>>
    %dma_wait3A_155 = arith.constant 0 : i32
    %dma_wait3A_156 = arith.constant 0 : i32
    %dma_wait3A_157 = tpu.memref_slice %arg6[%dma_wait3A_146, %dma_wait3A_155, %dma_wait3A_156] : memref<4x800x32xf32, #tpu.memory_space<vmem>> -> memref<1x800x32xf32, #tpu.memory_space<vmem>>
    %dma_wait3A_158 = tpu.memref_squeeze %dma_wait3A_157 : memref<1x800x32xf32, #tpu.memory_space<vmem>> -> memref<800x32xf32, #tpu.memory_space<vmem>>
    tpu.wait_dma2 semaphore(%arg11 : memref<!tpu.dma_semaphore, #tpu.memory_space<semaphore_mem>>) src(%dma_wait3A_158 : memref<800x32xf32, #tpu.memory_space<vmem>>) dst(%dma_wait3A_154 : memref<800x32xf32, #tpu.memory_space<hbm>>)
    %dma_wait3A_159 = arith.constant 1 : i32
    %dma_wait3A_160 = arith.constant 0 : i32
    %dma_wait3A_161 = arith.constant 0 : i32
    %dma_wait3A_162 = tpu.memref_slice %arg6[%dma_wait3A_159, %dma_wait3A_160, %dma_wait3A_161] : memref<4x800x32xf32, #tpu.memory_space<vmem>> -> memref<1x800x32xf32, #tpu.memory_space<vmem>>
    %dma_wait3A_163 = tpu.memref_squeeze %dma_wait3A_162 : memref<1x800x32xf32, #tpu.memory_space<vmem>> -> memref<800x32xf32, #tpu.memory_space<vmem>>
    %dma_wait3A_164 = arith.constant 0 : i32
    %dma_wait3A_165 = tpu.memref_slice %arg4[%mul3A_2, %dma_wait3A_164] : memref<819200x32xf32, #tpu.memory_space<hbm>> -> memref<800x32xf32, #tpu.memory_space<hbm>>
    %dma_wait3A_166 = arith.constant 0 : i32
    %dma_wait3A_167 = tpu.memref_slice %arg4[%mul3A_2, %dma_wait3A_166] : memref<819200x32xf32, #tpu.memory_space<hbm>> -> memref<800x32xf32, #tpu.memory_space<hbm>>
    %dma_wait3A_168 = arith.constant 0 : i32
    %dma_wait3A_169 = arith.constant 0 : i32
    %dma_wait3A_170 = tpu.memref_slice %arg6[%dma_wait3A_159, %dma_wait3A_168, %dma_wait3A_169] : memref<4x800x32xf32, #tpu.memory_space<vmem>> -> memref<1x800x32xf32, #tpu.memory_space<vmem>>
    %dma_wait3A_171 = tpu.memref_squeeze %dma_wait3A_170 : memref<1x800x32xf32, #tpu.memory_space<vmem>> -> memref<800x32xf32, #tpu.memory_space<vmem>>
    tpu.wait_dma2 semaphore(%arg12 : memref<!tpu.dma_semaphore, #tpu.memory_space<semaphore_mem>>) src(%dma_wait3A_171 : memref<800x32xf32, #tpu.memory_space<vmem>>) dst(%dma_wait3A_167 : memref<800x32xf32, #tpu.memory_space<hbm>>)
    %dma_wait3A_172 = arith.constant 2 : i32
    %dma_wait3A_173 = arith.constant 0 : i32
    %dma_wait3A_174 = arith.constant 0 : i32
    %dma_wait3A_175 = tpu.memref_slice %arg6[%dma_wait3A_172, %dma_wait3A_173, %dma_wait3A_174] : memref<4x800x32xf32, #tpu.memory_space<vmem>> -> memref<1x800x32xf32, #tpu.memory_space<vmem>>
    %dma_wait3A_176 = tpu.memref_squeeze %dma_wait3A_175 : memref<1x800x32xf32, #tpu.memory_space<vmem>> -> memref<800x32xf32, #tpu.memory_space<vmem>>
    %dma_wait3A_177 = arith.constant 0 : i32
    %dma_wait3A_178 = tpu.memref_slice %arg4[%mul3A_2, %dma_wait3A_177] : memref<819200x32xf32, #tpu.memory_space<hbm>> -> memref<800x32xf32, #tpu.memory_space<hbm>>
    %dma_wait3A_179 = arith.constant 0 : i32
    %dma_wait3A_180 = tpu.memref_slice %arg4[%mul3A_2, %dma_wait3A_179] : memref<819200x32xf32, #tpu.memory_space<hbm>> -> memref<800x32xf32, #tpu.memory_space<hbm>>
    %dma_wait3A_181 = arith.constant 0 : i32
    %dma_wait3A_182 = arith.constant 0 : i32
    %dma_wait3A_183 = tpu.memref_slice %arg6[%dma_wait3A_172, %dma_wait3A_181, %dma_wait3A_182] : memref<4x800x32xf32, #tpu.memory_space<vmem>> -> memref<1x800x32xf32, #tpu.memory_space<vmem>>
    %dma_wait3A_184 = tpu.memref_squeeze %dma_wait3A_183 : memref<1x800x32xf32, #tpu.memory_space<vmem>> -> memref<800x32xf32, #tpu.memory_space<vmem>>
    tpu.wait_dma2 semaphore(%arg13 : memref<!tpu.dma_semaphore, #tpu.memory_space<semaphore_mem>>) src(%dma_wait3A_184 : memref<800x32xf32, #tpu.memory_space<vmem>>) dst(%dma_wait3A_180 : memref<800x32xf32, #tpu.memory_space<hbm>>)
    %dma_wait3A_185 = arith.constant 3 : i32
    %dma_wait3A_186 = arith.constant 0 : i32
    %dma_wait3A_187 = arith.constant 0 : i32
    %dma_wait3A_188 = tpu.memref_slice %arg6[%dma_wait3A_185, %dma_wait3A_186, %dma_wait3A_187] : memref<4x800x32xf32, #tpu.memory_space<vmem>> -> memref<1x800x32xf32, #tpu.memory_space<vmem>>
    %dma_wait3A_189 = tpu.memref_squeeze %dma_wait3A_188 : memref<1x800x32xf32, #tpu.memory_space<vmem>> -> memref<800x32xf32, #tpu.memory_space<vmem>>
    %dma_wait3A_190 = arith.constant 0 : i32
    %dma_wait3A_191 = tpu.memref_slice %arg4[%mul3A_2, %dma_wait3A_190] : memref<819200x32xf32, #tpu.memory_space<hbm>> -> memref<800x32xf32, #tpu.memory_space<hbm>>
    %dma_wait3A_192 = arith.constant 0 : i32
    %dma_wait3A_193 = tpu.memref_slice %arg4[%mul3A_2, %dma_wait3A_192] : memref<819200x32xf32, #tpu.memory_space<hbm>> -> memref<800x32xf32, #tpu.memory_space<hbm>>
    %dma_wait3A_194 = arith.constant 0 : i32
    %dma_wait3A_195 = arith.constant 0 : i32
    %dma_wait3A_196 = tpu.memref_slice %arg6[%dma_wait3A_185, %dma_wait3A_194, %dma_wait3A_195] : memref<4x800x32xf32, #tpu.memory_space<vmem>> -> memref<1x800x32xf32, #tpu.memory_space<vmem>>
    %dma_wait3A_197 = tpu.memref_squeeze %dma_wait3A_196 : memref<1x800x32xf32, #tpu.memory_space<vmem>> -> memref<800x32xf32, #tpu.memory_space<vmem>>
    tpu.wait_dma2 semaphore(%arg14 : memref<!tpu.dma_semaphore, #tpu.memory_space<semaphore_mem>>) src(%dma_wait3A_197 : memref<800x32xf32, #tpu.memory_space<vmem>>) dst(%dma_wait3A_193 : memref<800x32xf32, #tpu.memory_space<hbm>>)
    return
  }
}

module attributes {stable_mosaic.version = 14 : i64} {
  func.func @body(%arg0: memref<4096x200xi32, #tpu.memory_space<vmem>>, %arg1: memref<4096x200xi32, #tpu.memory_space<vmem>>) attributes {dimension_semantics = [], scalar_prefetch = 0 : i64, scratch_operands = 0 : i64, tpu.core_type = #tpu.core_type<tc>} {
    %get3A = arith.constant 0 : index
    %get3A_0 = arith.constant 0 : index
    %get3A_1 = vector.load %arg0[%get3A, %get3A_0] : memref<4096x200xi32, #tpu.memory_space<vmem>>, vector<4096x200xi32>
    %and3A = arith.constant -2048 : i32
    %and3A_2 = vector.broadcast %and3A : i32 to vector<4096x200xi32>
    %and3A_3 = arith.andi %get3A_1, %and3A_2 : vector<4096x200xi32>
    %and3A_4 = arith.constant 511 : i32
    %and3A_5 = vector.broadcast %and3A_4 : i32 to vector<4096x200xi32>
    %and3A_6 = arith.andi %get3A_1, %and3A_5 : vector<4096x200xi32>
    %shift_left3A = arith.constant 2 : i32
    %shift_left3A_7 = vector.broadcast %shift_left3A : i32 to vector<4096x200xi32>
    %shift_left3A_8 = arith.shli %and3A_6, %shift_left3A_7 : vector<4096x200xi32>
    %or3A = arith.ori %and3A_3, %shift_left3A_8 : vector<4096x200xi32>
    %shift_right_arithmetic3A = arith.constant 9 : i32
    %shift_right_arithmetic3A_9 = vector.broadcast %shift_right_arithmetic3A : i32 to vector<4096x200xi32>
    %shift_right_arithmetic3A_10 = arith.shrsi %get3A_1, %shift_right_arithmetic3A_9 : vector<4096x200xi32>
    %and3A_11 = arith.constant 3 : i32
    %and3A_12 = vector.broadcast %and3A_11 : i32 to vector<4096x200xi32>
    %and3A_13 = arith.andi %shift_right_arithmetic3A_10, %and3A_12 : vector<4096x200xi32>
    %or3A_14 = arith.ori %or3A, %and3A_13 : vector<4096x200xi32>
    %swap3A = arith.constant 0 : index
    %swap3A_15 = arith.constant 0 : index
    %swap3A_16 = vector.load %arg1[%swap3A, %swap3A_15] : memref<4096x200xi32, #tpu.memory_space<vmem>>, vector<4096x200xi32>
    tpu.vector_store %arg1[%swap3A, %swap3A_15], %or3A_14 {strides = array<i32>} : memref<4096x200xi32, #tpu.memory_space<vmem>>, vector<4096x200xi32>,
    return
  }
}

module attributes {stable_mosaic.version = 14 : i64} {
  func.func @body(%arg0: i32, %arg1: memref<32x2048xf32, #tpu.memory_space<vmem>>, %arg2: memref<512x128xf32, #tpu.memory_space<vmem>>) attributes {dimension_semantics = [#tpu.dimension_semantics<arbitrary>], iteration_bounds = array<i64: 489>, scalar_prefetch = 0 : i64, scratch_operands = 0 : i64, tpu.core_type = #tpu.core_type<tc>, window_params = [{transform_indices = @transform_0, window_bounds = array<i64: 32, 2048>}, {transform_indices = @transform_1, window_bounds = array<i64: 512, 128>}]} {
    %iota3A = tpu.iota {dimensions = array<i32: 0>} : vector<32x32xi32>
    %iota3A_0 = tpu.iota {dimensions = array<i32: 1>} : vector<32x32xi32>
    %add3A = arith.constant 0 : i32
    %add3A_1 = vector.broadcast %add3A : i32 to vector<32x32xi32>
    %add3A_2 = arith.addi %iota3A, %add3A_1 : vector<32x32xi32>
    %eq3A = arith.cmpi eq, %add3A_2, %iota3A_0 : vector<32x32xi32>
    %convert_element_type3A = arith.extui %eq3A : vector<32x32xi1> to vector<32x32xi32>
    %convert_element_type3A_3 = arith.sitofp %convert_element_type3A : vector<32x32xi32> to vector<32x32xf32>
    %get3A = arith.constant 0 : index
    %get3A_4 = arith.constant 0 : index
    %get3A_5 = vector.load %arg1[%get3A, %get3A_4] : memref<32x2048xf32, #tpu.memory_space<vmem>>, vector<32x2048xf32>
    %dot_general3A = arith.constant dense<0.000000e+00> : vector<2048x32xf32>
    %dot_general3A_6 = tpu.matmul %get3A_5, %convert_element_type3A_3, %dot_general3A {dimension_numbers = #tpu.dot_dimension_numbers<[0], [0], [1], [1], [0, 1, 1, 1], [], []>, transpose_lhs_hint = false} : vector<32x2048xf32>, vector<32x32xf32>, vector<2048x32xf32> -> vector<2048x32xf32>
    %slice3A = vector.extract_strided_slice %dot_general3A_6 {offsets = [0, 0], sizes = [512, 32], strides = [1, 1]} : vector<2048x32xf32> to vector<512x32xf32>
    %swap3A = arith.constant 0 : index
    %swap3A_7 = arith.constant 0 : index
    %swap3A_8 = vector.load %arg2[%swap3A, %swap3A_7] : memref<512x128xf32, #tpu.memory_space<vmem>>, vector<512x32xf32>
    tpu.vector_store %arg2[%swap3A, %swap3A_7], %slice3A {strides = array<i32>} : memref<512x128xf32, #tpu.memory_space<vmem>>, vector<512x32xf32>,
    %slice3A_9 = vector.extract_strided_slice %dot_general3A_6 {offsets = [512, 0], sizes = [512, 32], strides = [1, 1]} : vector<2048x32xf32> to vector<512x32xf32>
    %swap3A_10 = arith.constant 0 : index
    %swap3A_11 = arith.constant 32 : index
    %swap3A_12 = vector.load %arg2[%swap3A_10, %swap3A_11] : memref<512x128xf32, #tpu.memory_space<vmem>>, vector<512x32xf32>
    tpu.vector_store %arg2[%swap3A_10, %swap3A_11], %slice3A_9 {strides = array<i32>} : memref<512x128xf32, #tpu.memory_space<vmem>>, vector<512x32xf32>,
    %slice3A_13 = vector.extract_strided_slice %dot_general3A_6 {offsets = [1024, 0], sizes = [512, 32], strides = [1, 1]} : vector<2048x32xf32> to vector<512x32xf32>
    %swap3A_14 = arith.constant 0 : index
    %swap3A_15 = arith.constant 64 : index
    %swap3A_16 = vector.load %arg2[%swap3A_14, %swap3A_15] : memref<512x128xf32, #tpu.memory_space<vmem>>, vector<512x32xf32>
    tpu.vector_store %arg2[%swap3A_14, %swap3A_15], %slice3A_13 {strides = array<i32>} : memref<512x128xf32, #tpu.memory_space<vmem>>, vector<512x32xf32>,
    %slice3A_17 = vector.extract_strided_slice %dot_general3A_6 {offsets = [1536, 0], sizes = [512, 32], strides = [1, 1]} : vector<2048x32xf32> to vector<512x32xf32>
    %swap3A_18 = arith.constant 0 : index
    %swap3A_19 = arith.constant 96 : index
    %swap3A_20 = vector.load %arg2[%swap3A_18, %swap3A_19] : memref<512x128xf32, #tpu.memory_space<vmem>>, vector<512x32xf32>
    tpu.vector_store %arg2[%swap3A_18, %swap3A_19], %slice3A_17 {strides = array<i32>} : memref<512x128xf32, #tpu.memory_space<vmem>>, vector<512x32xf32>,
    return
  }
  func.func @transform_0(%arg0: i32) -> (i32, i32) {
    %c0_i32 = arith.constant 0 : i32
    %c0_i32_0 = arith.constant 0 : i32
    return %c0_i32, %arg0 : i32, i32
  }
  func.func @transform_1(%arg0: i32) -> (i32, i32) {
    %c0_i32 = arith.constant 0 : i32
    %c0_i32_0 = arith.constant 0 : i32
    return %arg0, %c0_i32 : i32, i32
  }
}

</mosaic_0001>

<sc_bundles>
// kernel: kernel.5.cloned.1.call-start
scs
__scs_entry_jumppad:
0x0: {  	(pc) =	sbr.rel $0x88, $3  }
0x1: {  	(tag) =	ssettag $0x0;
	lr =	simm.s32 $0x1  }
0x2: {  	[smem:$0x3F9F] =	sst lr;
	_ =	strace $0xD0000000  }
0x3: {  	_ = 	snop  }
0x4: {  	_ = 	snop  }
0x5: {  	_ = 	snop  }
0x6: {  	_ = 	snop  }
0x7: {  	_ = 	snop  }
__scs_overlays_trampoline_lowered:
0x8: {  	[smem:$0x3FAE] =	sst s0  }
0x9: {  	[smem:$0x3FAF] =	sst s1  }
0xa: {  	[smem:$0x3FB0] =	sst s2  }
0xb: {  	[smem:$0x3FB1] =	sst s3  }
0xc: {  	[smem:$0x3FB2] =	sst s4  }
0xd: {  	[smem:$0x3FB3] =	sst s5  }
0xe: {  	[smem:$0x3FB4] =	sst s6  }
0xf: {  	[smem:$0x3FB5] =	sst s7  }
0x10: {  	[smem:$0x3FB6] =	sst s8  }
0x11: {  	[smem:$0x3FB7] =	sst s9;
	s0 =	simm.s32 @!p0 $0x0  }
0x12: {  	s1 =	sld [smem:$0x3F9D];
	s0 =	simm.s32 @p0 $0x1  }
0x13: {  	[smem:$0x3FB8] =	sst s0;
	s0 =	simm.s32 @!p1 $0x0  }
0x14: {  	s2 =	sld [smem:$0x3F9C];
	s0 =	simm.s32 @p1 $0x1  }
0x15: {  	[smem:$0x3FB9] =	sst s0;
	s0 =	simm.s32 @!p2 $0x0  }
0x16: {  	s3 =	sld [smem:$0x3FDB];
	s0 =	simm.s32 @p2 $0x1  }
0x17: {  	s4 =	simm.s32 $0x1BF5;
	[smem:$0x3FBB] =	sst s0  }
0x18: {  	s0 =	sld [smem:$0x3F9E];
	_ =	swait.ge [sflag:s4], $0x0  }
0x19: {  	s7 =	sld [smem:$0x3F9F]  }
0x1a: {  	s8 =	sadd.s32 $0xFFFFE003, lr  }
0x1b: {  	s9 =	sadd.s32 $0xFFFFFEF7, lr;
	s5 =	simm.s32 $0xFFFFFFFF;
	p2 =	slt.u32 s8, $0xFFFFF086  }
0x1c: {  	p1 =	slt.u32 s9, $0xF7A;
	s5 =	simm.s32 @!p2 $0x0  }
0x1d: {  	s5 =	simm.s32 @p1 $0x1;
	p0 =	seq.s32 s7, s2  }
0x1e: {  	s7 =	smul.u32 @!p0 $0xF7A, s2;
	p2 =	seq.s32 @!p0 s5, $0x0  }
0x1f: {  	s9 =	smul.u32 $0xF7A, s1;
	s8 =	simm.s32 @!p0 $0x1BF5;
	p2 =	por !p2, p0  }
0x20: {  	[sflag:s8] =	ssyncset.s32 @!p0 $0xFFFFF086;
	s6 =	sadd.s32 @!p0 s3, s7;
	s7 =	simm.s32 @!p0 $0x108  }
0x21: {  	s3 =	sadd.s32 s3, s9;
	s6 =	sadd.s32 @!p0 $0x88, s6;
	s7 =	simm.s32 @p2 $0x1082  }
0x22: {  	[simem:s7], [sflag:s8] =	dma.local @!p0 [hbm:s6], $0xF7A  }
0x23: {  	s9 =	sor.u32 $0xD0000000, s2;
	s6 =	simm.s32 $0x108;
	_ =	swait.ge @!p0 [sflag:s8], $0x0  }
0x24: {  	s3 =	sadd.s32 $0x88, s3;
	s6 =	simm.s32 @!p1 $0x1082;
	[sflag:s4] =	ssyncset.s32 $0xFFFFF086  }
0x25: {  	[simem:s6], [sflag:s4] =	dma.local [hbm:s3], $0xF7A  }
0x26: {  	[smem:$0x3F9F] =	sst s1;
	(tag) =	ssettag s2;
	_ =	strace s9  }
0x27: {  	s1 =	sld [smem:$0x3FAF]  }
0x28: {  	s2 =	sld [smem:$0x3FB0]  }
0x29: {  	s4 =	sld [smem:$0x3FB2]  }
0x2a: {  	p0 =	seq.s32 s5, $0x0;
	s5 =	sld [smem:$0x3FB3]  }
0x2b: {  	s6 =	sld [smem:$0x3FB4]  }
0x2c: {  	s7 =	sld [smem:$0x3FB5]  }
0x2d: {  	s3 =	simm.s32 $0x108;
	s8 =	sld [smem:$0x3FB6]  }
0x2e: {  	s3 =	simm.s32 @!p0 $0x1082;
	s9 =	sld [smem:$0x3FB7]  }
0x2f: {  	lr =	sadd.s32 s0, s3;
	s0 =	sld [smem:$0x3FAE]  }
0x30: {  	s3 =	sld [smem:$0x3FB1]  }
0x31: {  	[smem:$0x3FBA] =	sst s10  }
0x32: {  	s10 =	sld [smem:$0x3FB8];
	_ =	sdelay $0x3  }
0x33: {  	p0 =	seq.s32 s10, $0x1;
	s10 =	sld [smem:$0x3FBA];
	_ =	sdelay $0x3  }
0x34: {  	[smem:$0x3FBA] =	sst s10  }
0x35: {  	s10 =	sld [smem:$0x3FB9];
	_ =	sdelay $0x3  }
0x36: {  	p1 =	seq.s32 s10, $0x1;
	s10 =	sld [smem:$0x3FBA];
	_ =	sdelay $0x3  }
0x37: {  	[smem:$0x3FBA] =	sst s10  }
0x38: {  	s10 =	sld [smem:$0x3FBB]  }
0x39: {  	_ = 	snop;
	(pc) =	sbr.ind lr, $3  }
0x3a: {  	_ = 	snop  }
0x3b: {  	_ = 	snop  }
0x3c: {  	p2 =	seq.s32 s10, $0x1;
	s10 =	sld [smem:$0x3FBA]  }
0x3d: {  	_ =	shalt  }
0x3e: {  	_ =	shalt  }
0x3f: {  	_ =	shalt  }
0x40: {  	_ =	shalt  }
0x41: {  	_ =	shalt  }
0x42: {  	_ =	shalt  }
0x43: {  	_ =	shalt  }
0x44: {  	_ =	shalt  }
0x45: {  	_ =	shalt  }
0x46: {  	_ =	shalt  }
0x47: {  	_ =	shalt  }
0x48: {  	_ =	shalt  }
0x49: {  	_ =	shalt  }
0x4a: {  	_ =	shalt  }
0x4b: {  	_ =	shalt  }
0x4c: {  	_ =	shalt  }
0x4d: {  	_ =	shalt  }
0x4e: {  	_ =	shalt  }
0x4f: {  	_ =	shalt  }
0x50: {  	_ =	shalt  }
0x51: {  	_ =	shalt  }
0x52: {  	_ =	shalt  }
0x53: {  	_ =	shalt  }
0x54: {  	_ =	shalt  }
0x55: {  	_ =	shalt  }
0x56: {  	_ =	shalt  }
0x57: {  	_ =	shalt  }
0x58: {  	_ =	shalt  }
0x59: {  	_ =	shalt  }
0x5a: {  	_ =	shalt  }
0x5b: {  	_ =	shalt  }
0x5c: {  	_ =	shalt  }
0x5d: {  	_ =	shalt  }
0x5e: {  	_ =	shalt  }
0x5f: {  	_ =	shalt  }
0x60: {  	_ =	shalt  }
0x61: {  	_ =	shalt  }
0x62: {  	_ =	shalt  }
0x63: {  	_ =	shalt  }
0x64: {  	_ =	shalt  }
0x65: {  	_ =	shalt  }
0x66: {  	_ =	shalt  }
0x67: {  	_ =	shalt  }
0x68: {  	_ =	shalt  }
0x69: {  	_ =	shalt  }
0x6a: {  	_ =	shalt  }
0x6b: {  	_ =	shalt  }
0x6c: {  	_ =	shalt  }
0x6d: {  	_ =	shalt  }
0x6e: {  	_ =	shalt  }
0x6f: {  	_ =	shalt  }
0x70: {  	_ =	shalt  }
0x71: {  	_ =	shalt  }
0x72: {  	_ =	shalt  }
0x73: {  	_ =	shalt  }
0x74: {  	_ =	shalt  }
0x75: {  	_ =	shalt  }
0x76: {  	_ =	shalt  }
0x77: {  	_ =	shalt  }
0x78: {  	_ =	shalt  }
0x79: {  	_ =	shalt  }
0x7a: {  	_ =	shalt  }
0x7b: {  	_ =	shalt  }
0x7c: {  	_ =	shalt  }
0x7d: {  	_ =	shalt  }
0x7e: {  	_ =	shalt  }
0x7f: {  	_ =	shalt  }
0x80: {  	_ =	shalt  }
0x81: {  	_ =	shalt  }
0x82: {  	_ =	shalt  }
0x83: {  	_ =	shalt  }
0x84: {  	_ =	shalt  }
0x85: {  	_ =	shalt  }
0x86: {  	_ =	shalt  }
0x87: {  	_ =	shalt  }
.Lfunc_end0:
.L_simem_size_0:
called_computation.1_lowered:
.L_overlay_start_0:
0x88: {  	s2 =	sld [smem:$0x3FD9]  }
0x89: {  	s3 =	sld [smem:$0x3FFE];
	_ =	sdelay $0x1  }
0x8a: {  	s1 =	srdreg.scid  }
0x8b: {  	s0 =	sand.u32 $0x1, s1  }
0x8c: {  	s17 =	sshll.u32 s0, $0xA;
	s2 =	sadd.s32 s3, s2  }
0x8d: {  	s2 =	sadd.s32 s2, s17  }
0x8e: {  	[smem:$0x3FC6] =	sst s2  }
0x8f: {  	_ = 	snop  }
0x90: {  	s2 =	sld [smem:$0x3FD0];
	(tm) =	ssettm $0x1  }
0x91: {  	s18 =	sld [smem:$0x3FFB];
	_ =	sdelay $0x3  }
0x92: {  	_ =	strace s18  }
0x93: {  	s3 =	sld [smem:$0x3FFC];
	_ =	sdelay $0x3  }
0x94: {  	_ =	strace s3  }
0x95: {  	s3 =	sld [smem:$0x3FFD];
	_ =	sdelay $0x3  }
0x96: {  	_ =	strace s3  }
0x97: {  	_ =	strace $0x8FFFFFFF  }
0x98: {  	s19 =	sld [smem:$0x3FDB];
	_ =	sdelay $0x1  }
0x99: {  	s4 =	simm.s32 $_scs_section_size  }
0x9a: {  	s5 =	simm.s32 $_size__tile_overlayer_lowered;
	s6 =	simm.s32 $_tile_overlayer_lowered  }
0x9b: {  	s22 =	simm.s32 $0x1BFF;
	s21 =	sshll.u32 s6, $0x1;
	s3 =	sadd.s32 s4, s19  }
0x9c: {  	s7 =	simm.s32 $0x0;
	s20 =	sshll.u32 s5, $0x1;
	s5 =	sadd.s32 s21, s3  }
0x9d: {  	[timem:s7], [sflag:s22] =	dma.local [hbm:s5], s20  }
0x9e: {  	_ =	swait.ge [sflag:s22], s20  }
0x9f: {  	s4 =	ssub.s32 $0x0, s20;
	[sflag:s22] =	ssyncset.done $0x0  }
0xa0: {  	[sflag:s22] =	ssyncadd.s32 s4;
	_ =	sdelay $0x1  }
0xa1: {  	s23 =	simm.s32 $0x1B8B  }
0xa2: {  	_ =	swait.ge [sflag:s23], $0x1  }
0xa3: {  	[sflag:s23] =	ssyncset.done $0x0  }
0xa4: {  	s25 =	simm.s32 $0x1B8E;
	s24 =	sld [smem:$0x3FFE];
	[sflag:s23] =	ssyncadd.s32 $0xFFFFFFFF  }
0xa5: {  	s26 =	simm.s32 $execute0_lowered;
	[smem:$0x3FD2] =	sst s25  }
0xa6: {  	s5 =	sshll.u32 s26, $0x1;
	_ =	strace $0x80000046;
	[dreg:$0x1] =	wrdreg $0xFFFFFFFF  }
0xa7: {  	s28 =	simm.s32 $_size_execute0_lowered;
	s3 =	sadd.s32 s3, s5;
	[dreg:$0x0] =	wrdreg $0x0  }
0xa8: {  	s5 =	sshll.u32 s28, $0x1;
	[dreg:$0x2] =	wrdreg s3  }
0xa9: {  	[dreg:$0x3] =	wrdreg s5  }
0xaa: {  	[dreg:$0x4] =	wrdreg $0xC0  }
0xab: {  	_ =	task [dreg:s7], $0x5FFFF  }
0xac: {  	[dreg:$0x1] =	wrdreg $0xFFFFFFFF  }
0xad: {  	[dreg:$0x0] =	wrdreg $0x60  }
0xae: {  	[dreg:$0x2] =	wrdreg s24  }
0xaf: {  	[dreg:$0x3] =	wrdreg s2  }
0xb0: {  	[dreg:$0x4] =	wrdreg $0x9  }
0xb1: {  	_ =	task.clear_ibuf [dreg:s7], $0x5FFFF;
	_ =	strace $0x90000046  }
0xb2: {  	s29 =	simm.s32 $0x9;
	_ =	strace $0x80000048  }
0xb3: {  	_ =	swait.ge [sflag:s29], $0x1  }
0xb4: {  	[sflag:s29] =	ssyncadd.s32 $0xFFFFFFFF  }
0xb5: {  	_ =	strace $0x90000048  }
0xb6: {  	_ =	sfence  }
0xb7: {  	s30 =	sld [smem:$0x0];
	_ =	sdelay $0x2  }
0xb8: {  	s31 =	sshll.u32 s1, $0xD;
	s1 =	sshrl.u32 s1, $0x2  }
0xb9: {  	s3 =	sand.u32 $0x4000, s31;
	s1 =	sadd.s32 s1, s30  }
0xba: {  	s0 =	sor.u32 s3, s0;
	s1 =	sshll.u32 s1, $0x11  }
0xbb: {  	s0 =	sor.u32 s1, s0  }
0xbc: {  	s0 =	sadd.s32 $0x8F2B, s0  }
0xbd: {  	[sflag:s0] =	ssyncadd.remote.s32 $0x1  }
0xbe: {  	_ =	sfence.sel $0xFFFF  }
0xbf: {  	[dreg:$0x0] =	wrdreg $0xFFFFFFFF;
	(pc) =	sbr.abs _section_cstart, $3  }
0xc0: {  	[dreg:$0x1] =	wrdreg $0xFFFFFFFF  }
0xc1: {  	_ =	task.clear_ibuf [dreg:s7], $0x2FFFF;
	_ =	strace $0x9FFFFFFF  }
0xc2: {  	(tm) =	ssettm $0x7FFFFFFF  }
0xc3: {  	_ =	shalt  }
tec
execute0_lowered:
.L_overlay_start_1:
0x0: {  	(tag) =	ssettag $0x1  }
0x1: {  	s0 =	srdreg.scid  }
0x2: {  	s8 =	stileid.u32;
	s1 =	rddreg [dreg:$0x0]  }
0x3: {  	s10 =	rddreg [dreg:$0x1];
	s14 =	simm.s32 $0x9;
	s15 =	simm.s32 $0x320  }
0x4: {  	s16 =	simm.s32 $0x6400;
	s17 =	simm.s32 $0xC800;
	s19 =	simm.s32 $0x12C00  }
0x5: {  	s21 =	simm.s32 $0x19000;
	s22 =	simm.s32 $0x1;
	s23 =	simm.s32 $0x2  }
0x6: {  	s24 =	simm.s32 $0x3;
	s25 =	simm.s32 $0x4;
	s28 =	simm.s32 $0x6  }
0x7: {  	s0 =	sand.u32 $0x1, s0;
	s2 =	sshll.u32 s8, $0x1;
	s8 =	smul.u32 $0xC800, s8  }
0x8: {  	s3 =	sor.u32 s0, s2;
	s7 =	ssub.s32 $0x2, s0;
	s0 =	smul.u32 $0x6400, s0  }
0x9: {  	s29 =	simm.s32 $0x7;
	s30 =	simm.s32 $0x8;
	s4 =	smul.u32 $0x6400, s3  }
0xa: {  	s31 =	simm.s32 $0x0;
	s2 =	simm.s32 $0x0;
	s5 =	smul.u32 $0x19000, s3  }
0xb: {  	[smem:$0x7FF] =	sst s2;
	s6 =	smul.u32 $0xC8000, s3;
	s3 =	sadd.s32 $0x19800, s1  }
0xc: {  	s26 =	sshrl.u32 s7, $0x1;
	_ =	strace $0x80000047;
	s0 =	sadd.s32 s0, s8  }
0xd: {  	s4 =	sshrl.u32 s4, $0x3;
	s6 =	sshrl.u32 s6, $0x3;
	s5 =	sadd.s32 s10, s5  }
0xe: {  	s0 =	sshll.u32 s0, $0x2;
	s4 =	sadd.s32 s4, s1;
	s1 =	ssub.s32 s7, s26  }
0xf: {  	s9 =	sadd.s32 s10, s6;
	s6 =	sadd.s32 $0xC80, s5;
	s0 =	sadd.s32 s10, s0  }
0x10: {  	s26 =	simm.s32 $0x5;
	s4 =	sadd.s32 $0x800, s4;
	s7 =	sadd.s32 $0x1900, s9  }
0x11: {  	s8 =	sadd.s32 $0x2580, s9;
	s9 =	smax.u32 s1, $0x1;
	s10 =	sadd.s32 $0x5780, s0  }
0x12: {  	s11 =	sadd.s32 $0x4B00, s0;
	s12 =	sadd.s32 $0x3E80, s0;
	s13 =	sadd.s32 $0x3200, s0  }
.LBB2_1:
0x13: {  	[tilespmem:s2], [sflag:$0x9] =	stream.linear.gather [hbm4b:s4+s2], $0x6400, $0x38;
	[tilespmem:$0x1F400] =	vst v63  }
0x14: {  	_ =	swait.ge [sflag:s14], $0x6400  }
0x15: {  	[sflag:s14] =	ssyncset.done $0x0  }
0x16: {  	[sflag:s14] =	ssyncadd.s32 $0xFFFF9C00  }
0x17: {  	[tilespmem:s16], [sflag:$0x1] =	stream.indirect.gather [hbm4b:s3+s15], $0x20, s2, s15, $0xb8;
	[tilespmem:$0x1F400] =	vst v63  }
0x18: {  	_ = 	snop  }
0x19: {  	[tilespmem:s17], [sflag:$0x2] =	stream.indirect.gather [hbm4b:s3+s15], $0x20, s15, s15, $0xb8;
	[tilespmem:$0x1F400] =	vst v63  }
0x1a: {  	s0 =	simm.s32 $0x640  }
0x1b: {  	[tilespmem:s19], [sflag:$0x3] =	stream.indirect.gather [hbm4b:s3+s15], $0x20, s0, s15, $0xb8;
	[tilespmem:$0x1F400] =	vst v63  }
0x1c: {  	s18 =	simm.s32 $0x960  }
0x1d: {  	[tilespmem:s21], [sflag:$0x4] =	stream.indirect.gather [hbm4b:s3+s15], $0x20, s18, s15, $0xb8;
	[tilespmem:$0x1F400] =	vst v63  }
0x1e: {  	_ =	swait.ge [sflag:s22], $0x6400  }
0x1f: {  	[sflag:s22] =	ssyncset.done $0x0  }
0x20: {  	[sflag:s22] =	ssyncadd.s32 $0xFFFF9C00  }
0x21: {  	[hbm4b:s5+s2] =	stream.linear.scatter [tilespmem:s16], [sflag:$0x5], $0x6400, $0x38;
	[tilespmem:$0x1F400] =	vst v63  }
0x22: {  	_ =	swait.ge [sflag:s23], $0x6400  }
0x23: {  	[sflag:s23] =	ssyncset.done $0x0  }
0x24: {  	[sflag:s23] =	ssyncadd.s32 $0xFFFF9C00  }
0x25: {  	[hbm4b:s6+s2] =	stream.linear.scatter [tilespmem:s17], [sflag:$0x6], $0x6400, $0x38;
	[tilespmem:$0x1F400] =	vst v63  }
0x26: {  	_ =	swait.ge [sflag:s24], $0x6400  }
0x27: {  	[sflag:s24] =	ssyncset.done $0x0  }
0x28: {  	[sflag:s24] =	ssyncadd.s32 $0xFFFF9C00  }
0x29: {  	[hbm4b:s7+s2] =	stream.linear.scatter [tilespmem:s19], [sflag:$0x7], $0x6400, $0x38;
	[tilespmem:$0x1F400] =	vst v63  }
0x2a: {  	_ =	swait.ge [sflag:s25], $0x6400  }
0x2b: {  	[sflag:s25] =	ssyncset.done $0x0  }
0x2c: {  	[sflag:s25] =	ssyncadd.s32 $0xFFFF9C00  }
0x2d: {  	[hbm4b:s8+s2] =	stream.linear.scatter [tilespmem:s21], [sflag:$0x8], $0x6400, $0x38;
	[tilespmem:$0x1F400] =	vst v63  }
0x2e: {  	_ =	swait.ge [sflag:s26], $0x6400  }
0x2f: {  	[sflag:s26] =	ssyncset.done $0x0  }
0x30: {  	s20 =	simm.s32 $0xC80;
	[sflag:s26] =	ssyncadd.s32 $0xFFFF9C00  }
0x31: {  	[tilespmem:s16], [sflag:$0x1] =	stream.indirect.gather [hbm4b:s3+s15], $0x20, s20, s15, $0xb8;
	[tilespmem:$0x1F400] =	vst v63  }
0x32: {  	_ =	swait.ge [sflag:s28], $0x6400  }
0x33: {  	[sflag:s28] =	ssyncset.done $0x0  }
0x34: {  	s1 =	simm.s32 $0xFA0;
	[sflag:s28] =	ssyncadd.s32 $0xFFFF9C00  }
0x35: {  	[tilespmem:s17], [sflag:$0x2] =	stream.indirect.gather [hbm4b:s3+s15], $0x20, s1, s15, $0xb8;
	[tilespmem:$0x1F400] =	vst v63  }
0x36: {  	_ =	swait.ge [sflag:s29], $0x6400  }
0x37: {  	[sflag:s29] =	ssyncset.done $0x0  }
0x38: {  	s18 =	simm.s32 $0x12C0;
	[sflag:s29] =	ssyncadd.s32 $0xFFFF9C00  }
0x39: {  	[tilespmem:s19], [sflag:$0x3] =	stream.indirect.gather [hbm4b:s3+s15], $0x20, s18, s15, $0xb8;
	[tilespmem:$0x1F400] =	vst v63  }
0x3a: {  	_ =	swait.ge [sflag:s30], $0x6400  }
0x3b: {  	[sflag:s30] =	ssyncset.done $0x0  }
0x3c: {  	s20 =	simm.s32 $0x15E0;
	[sflag:s30] =	ssyncadd.s32 $0xFFFF9C00  }
0x3d: {  	[tilespmem:s21], [sflag:$0x4] =	stream.indirect.gather [hbm4b:s3+s15], $0x20, s20, s15, $0xb8;
	[tilespmem:$0x1F400] =	vst v63  }
0x3e: {  	_ =	swait.ge [sflag:s22], $0x6400  }
0x3f: {  	[sflag:s22] =	ssyncset.done $0x0  }
0x40: {  	s1 =	sadd.s32 $0x0, s13;
	[sflag:s22] =	ssyncadd.s32 $0xFFFF9C00  }
0x41: {  	[hbm4b:s1+s2] =	stream.linear.scatter [tilespmem:s16], [sflag:$0x5], $0x6400, $0x38;
	[tilespmem:$0x1F400] =	vst v63  }
0x42: {  	_ =	swait.ge [sflag:s23], $0x6400  }
0x43: {  	[sflag:s23] =	ssyncset.done $0x0  }
0x44: {  	s18 =	sadd.s32 $0x0, s12;
	[sflag:s23] =	ssyncadd.s32 $0xFFFF9C00  }
0x45: {  	[hbm4b:s18+s2] =	stream.linear.scatter [tilespmem:s17], [sflag:$0x6], $0x6400, $0x38;
	[tilespmem:$0x1F400] =	vst v63  }
0x46: {  	_ =	swait.ge [sflag:s24], $0x6400  }
0x47: {  	[sflag:s24] =	ssyncset.done $0x0  }
0x48: {  	s20 =	sadd.s32 $0x0, s11;
	[sflag:s24] =	ssyncadd.s32 $0xFFFF9C00  }
0x49: {  	[hbm4b:s20+s2] =	stream.linear.scatter [tilespmem:s19], [sflag:$0x7], $0x6400, $0x38;
	[tilespmem:$0x1F400] =	vst v63  }
0x4a: {  	_ =	swait.ge [sflag:s25], $0x6400  }
0x4b: {  	[sflag:s25] =	ssyncset.done $0x0  }
0x4c: {  	s0 =	sadd.s32 $0x0, s10;
	s1 =	simm.s32 $0x3200;
	[sflag:s25] =	ssyncadd.s32 $0xFFFF9C00  }
.LBB2_2:
0x4d: {  	[hbm4b:s0+s2] =	stream.linear.scatter [tilespmem:s21], [sflag:$0x8], $0x6400, $0x38;
	[tilespmem:$0x1F400] =	vst v63  }
0x4e: {  	s0 =	smov.u32 s1  }
0x4f: {  	p0 =	sne.s32 s1, $0x12C00;
	s1 =	sadd.s32 $0x3200, s1;
	_ =	swait.ge [sflag:s26], $0x6400  }
0x50: {  	s18 =	sshra.s32 s0, $0x2;
	[sflag:s26] =	ssyncset.done $0x0  }
0x51: {  	s20 =	sadd.s32 $0xC80, s18;
	[sflag:s26] =	ssyncadd.s32 $0xFFFF9C00  }
0x52: {  	[tilespmem:s16], [sflag:$0x1] =	stream.indirect.gather [hbm4b:s3+s15], $0x20, s20, s15, $0xb8;
	[tilespmem:$0x1F400] =	vst v63  }
0x53: {  	_ =	swait.ge [sflag:s28], $0x6400  }
0x54: {  	[sflag:s28] =	ssyncset.done $0x0  }
0x55: {  	s20 =	sadd.s32 $0xFA0, s18;
	[sflag:s28] =	ssyncadd.s32 $0xFFFF9C00  }
0x56: {  	[tilespmem:s17], [sflag:$0x2] =	stream.indirect.gather [hbm4b:s3+s15], $0x20, s20, s15, $0xb8;
	[tilespmem:$0x1F400] =	vst v63  }
0x57: {  	_ =	swait.ge [sflag:s29], $0x6400  }
0x58: {  	[sflag:s29] =	ssyncset.done $0x0  }
0x59: {  	s20 =	sadd.s32 $0x12C0, s18;
	[sflag:s29] =	ssyncadd.s32 $0xFFFF9C00  }
0x5a: {  	[tilespmem:s19], [sflag:$0x3] =	stream.indirect.gather [hbm4b:s3+s15], $0x20, s20, s15, $0xb8;
	[tilespmem:$0x1F400] =	vst v63  }
0x5b: {  	_ =	swait.ge [sflag:s30], $0x6400  }
0x5c: {  	[sflag:s30] =	ssyncset.done $0x0  }
0x5d: {  	s18 =	sadd.s32 $0x15E0, s18;
	[sflag:s30] =	ssyncadd.s32 $0xFFFF9C00  }
0x5e: {  	[tilespmem:s21], [sflag:$0x4] =	stream.indirect.gather [hbm4b:s3+s15], $0x20, s18, s15, $0xb8;
	[tilespmem:$0x1F400] =	vst v63  }
0x5f: {  	_ =	swait.ge [sflag:s22], $0x6400  }
0x60: {  	[sflag:s22] =	ssyncset.done $0x0  }
0x61: {  	s18 =	sadd.s32 s0, s13;
	[sflag:s22] =	ssyncadd.s32 $0xFFFF9C00  }
0x62: {  	[hbm4b:s18+s2] =	stream.linear.scatter [tilespmem:s16], [sflag:$0x5], $0x6400, $0x38;
	[tilespmem:$0x1F400] =	vst v63  }
0x63: {  	_ =	swait.ge [sflag:s23], $0x6400  }
0x64: {  	[sflag:s23] =	ssyncset.done $0x0  }
0x65: {  	s18 =	sadd.s32 s0, s12;
	[sflag:s23] =	ssyncadd.s32 $0xFFFF9C00  }
0x66: {  	[hbm4b:s18+s2] =	stream.linear.scatter [tilespmem:s17], [sflag:$0x6], $0x6400, $0x38;
	[tilespmem:$0x1F400] =	vst v63  }
0x67: {  	_ =	swait.ge [sflag:s24], $0x6400  }
0x68: {  	[sflag:s24] =	ssyncset.done $0x0  }
.Ltmp0:
0x69: {  	s18 =	sadd.s32 s0, s11;
	[sflag:s24] =	ssyncadd.s32 $0xFFFF9C00;
	(pc) =	sbr.rel @p0 .LBB2_2-.Ltmp0, $4  }
0x6a: {  	[hbm4b:s18+s2] =	stream.linear.scatter [tilespmem:s19], [sflag:$0x7], $0x6400, $0x38;
	[tilespmem:$0x1F400] =	vst v63  }
0x6b: {  	_ =	swait.ge [sflag:s25], $0x6400  }
0x6c: {  	[sflag:s25] =	ssyncset.done $0x0  }
0x6d: {  	s0 =	sadd.s32 s0, s10;
	[sflag:s25] =	ssyncadd.s32 $0xFFFF9C00  }
0x6e: {  	[hbm4b:s0+s2] =	stream.linear.scatter [tilespmem:s21], [sflag:$0x8], $0x6400, $0x38;
	[tilespmem:$0x1F400] =	vst v63  }
0x6f: {  	_ =	swait.ge [sflag:s26], $0x6400  }
0x70: {  	[sflag:s26] =	ssyncset.done $0x0  }
0x71: {  	[sflag:s26] =	ssyncadd.s32 $0xFFFF9C00  }
0x72: {  	_ =	swait.ge [sflag:s28], $0x6400  }
0x73: {  	[sflag:s28] =	ssyncset.done $0x0  }
0x74: {  	s31 =	sadd.s32 $0x1, s31;
	[sflag:s28] =	ssyncadd.s32 $0xFFFF9C00  }
0x75: {  	p0 =	sne.s32 s31, s9;
	_ =	swait.ge [sflag:s29], $0x6400  }
.Ltmp1:
0x76: {  	[sflag:s29] =	ssyncset.done $0x0;
	(pc) =	sbr.rel @p0 .LBB2_1-.Ltmp1, $4  }
0x77: {  	[sflag:s29] =	ssyncadd.s32 $0xFFFF9C00  }
0x78: {  	_ =	swait.ge [sflag:s30], $0x6400  }
0x79: {  	[sflag:s30] =	ssyncset.done $0x0  }
0x7a: {  	[sflag:s30] =	ssyncadd.s32 $0xFFFF9C00  }
0x7b: {  	_ =	sfence.sel $0x180000  }
0x7c: {  	[bflag:$0x0] =	sbarrier.arrive $0xFFFF  }
0x7d: {  	_ =	strace $0x90000047  }
0x7e: {  	s0 =	stileid.u32;
	[bflag:$0x2] =	sbarrier.arrive $0xFFFF  }
0x7f: {  	p0 =	sne.s32 s0, $0x0;
	s0 =	rddreg [dreg:$0x2]  }
0x80: {  	s0 =	sadd.s32 @!p0 $0x100000, s0  }
0x81: {  	[sflag:s0] =	ssyncadd.tile.s32 @!p0 $0x1;
	_ =	shalt  }
.Lfunc_end2:
_tile_overlayer_lowered:
.L_overlay_start_2:
0x82: {  	(tag) =	ssettag $0x2  }
0x83: {  	s0 =	rddreg [dreg:$0x0];
	s2 =	stileid.u32  }
0x84: {  	s1 =	rddreg [dreg:$0x1];
	p0 =	sne.s32 s2, $0x0  }
0x85: {  	s3 =	rddreg [dreg:$0x2];
	[bflag:$0x3] =	sbarrier.arrive $0xFFFF;
	s2 =	simm.s32 @!p0 $0x1C09  }
0x86: {  	[timem:s3], [sflag:s2] =	dma.local @!p0 [hbm:s0], s1  }
0x87: {  	s0 =	simm.s32 @!p0 $0x9  }
0x88: {  	_ =	swait.ge @!p0 [sflag:s0], s1  }
0x89: {  	s1 =	ssub.s32 @!p0 $0x0, s1;
	[sflag:s0] =	ssyncset.done @!p0 $0x0  }
0x8a: {  	[sflag:s0] =	ssyncadd.s32 @!p0 s1  }
0x8b: {  	[bflag:$0x3] =	sbarrier.arrive $0xFFFF  }
0x8c: {  	_ =	shalt  }

// kernel: sparse-core-data-format-call.cloned.1.call-start
scs
called_computation_lowered:
.L_overlay_start_0:
0x0: {  	s2 =	sld [smem:$0x3FD9]  }
0x1: {  	s3 =	sld [smem:$0x3FFE];
	_ =	sdelay $0x1  }
0x2: {  	s1 =	srdreg.scid  }
0x3: {  	s0 =	sand.u32 $0x1, s1  }
0x4: {  	s18 =	sshll.u32 s0, $0xA;
	s2 =	sadd.s32 s3, s2  }
0x5: {  	s2 =	sadd.s32 s2, s18  }
0x6: {  	[smem:$0x3FC6] =	sst s2  }
0x7: {  	_ = 	snop  }
0x8: {  	s2 =	sld [smem:$0x3FD0];
	(tm) =	ssettm $0x1  }
0x9: {  	s19 =	sld [smem:$0x3FFB];
	_ =	sdelay $0x3  }
0xa: {  	_ =	strace s19  }
0xb: {  	s3 =	sld [smem:$0x3FFC];
	_ =	sdelay $0x3  }
0xc: {  	_ =	strace s3  }
0xd: {  	s3 =	sld [smem:$0x3FFD];
	_ =	sdelay $0x3  }
0xe: {  	_ =	strace s3  }
0xf: {  	_ =	strace $0x8FFFFFFF  }
0x10: {  	s20 =	sld [smem:$0x3FDB];
	_ =	sdelay $0x1  }
0x11: {  	s4 =	simm.s32 $_scs_section_size  }
0x12: {  	s5 =	simm.s32 $_size__tile_overlayer_lowered;
	s6 =	simm.s32 $_tile_overlayer_lowered  }
0x13: {  	s23 =	simm.s32 $0x1BFF;
	s22 =	sshll.u32 s6, $0x1;
	s3 =	sadd.s32 s4, s20  }
0x14: {  	s7 =	simm.s32 $0x0;
	s21 =	sshll.u32 s5, $0x1;
	s5 =	sadd.s32 s22, s3  }
0x15: {  	[timem:s7], [sflag:s23] =	dma.local [hbm:s5], s21  }
0x16: {  	_ =	swait.ge [sflag:s23], s21  }
0x17: {  	s4 =	ssub.s32 $0x0, s21;
	[sflag:s23] =	ssyncset.done $0x0  }
0x18: {  	[sflag:s23] =	ssyncadd.s32 s4;
	_ =	sdelay $0x1  }
0x19: {  	s24 =	simm.s32 $0x1B8B  }
0x1a: {  	_ =	swait.ge [sflag:s24], $0x1  }
0x1b: {  	[sflag:s24] =	ssyncset.done $0x0  }
0x1c: {  	s26 =	simm.s32 $0x1B8E;
	s25 =	sld [smem:$0x3FFE];
	[sflag:s24] =	ssyncadd.s32 $0xFFFFFFFF  }
0x1d: {  	s27 =	simm.s32 $execute0_lowered;
	[smem:$0x3FD2] =	sst s26  }
0x1e: {  	s5 =	sshll.u32 s27, $0x1;
	_ =	strace $0x80000049;
	[dreg:$0x1] =	wrdreg $0xFFFFFFFF  }
0x1f: {  	s28 =	simm.s32 $_size_execute0_lowered;
	s3 =	sadd.s32 s3, s5;
	[dreg:$0x0] =	wrdreg $0x0  }
0x20: {  	s5 =	sshll.u32 s28, $0x1;
	[dreg:$0x2] =	wrdreg s3  }
0x21: {  	[dreg:$0x3] =	wrdreg s5  }
0x22: {  	[dreg:$0x4] =	wrdreg $0xC0  }
0x23: {  	_ =	task [dreg:s7], $0x5FFFF  }
0x24: {  	[dreg:$0x1] =	wrdreg $0xFFFFFFFF  }
0x25: {  	[dreg:$0x0] =	wrdreg $0x60  }
0x26: {  	[dreg:$0x2] =	wrdreg s25  }
0x27: {  	[dreg:$0x3] =	wrdreg s2  }
0x28: {  	[dreg:$0x4] =	wrdreg $0x9  }
0x29: {  	_ =	task.clear_ibuf [dreg:s7], $0x5FFFF;
	_ =	strace $0x90000049  }
0x2a: {  	s29 =	simm.s32 $0x9;
	_ =	strace $0x8000004B  }
0x2b: {  	_ =	swait.ge [sflag:s29], $0x1  }
0x2c: {  	[sflag:s29] =	ssyncadd.s32 $0xFFFFFFFF  }
0x2d: {  	_ =	strace $0x9000004B  }
0x2e: {  	_ =	sfence  }
0x2f: {  	s30 =	sld [smem:$0x0];
	_ =	sdelay $0x2  }
0x30: {  	s31 =	sshll.u32 s1, $0xD;
	s1 =	sshrl.u32 s1, $0x2  }
0x31: {  	s3 =	sand.u32 $0x4000, s31;
	s1 =	sadd.s32 s1, s30  }
0x32: {  	s0 =	sor.u32 s3, s0;
	s1 =	sshll.u32 s1, $0x11  }
0x33: {  	s0 =	sor.u32 s1, s0  }
0x34: {  	s0 =	sadd.s32 $0x8F2B, s0  }
0x35: {  	[sflag:s0] =	ssyncadd.remote.s32 $0x1  }
0x36: {  	_ =	sfence.sel $0xFFFF  }
0x37: {  	[dreg:$0x0] =	wrdreg $0xFFFFFFFF;
	(pc) =	sbr.abs _section_cstart, $3  }
0x38: {  	[dreg:$0x1] =	wrdreg $0xFFFFFFFF  }
0x39: {  	_ =	task.clear_ibuf [dreg:s7], $0x2FFFF;
	_ =	strace $0x9FFFFFFF  }
0x3a: {  	(tm) =	ssettm $0x7FFFFFFF  }
0x3b: {  	_ =	shalt  }
tec
execute0_lowered:
.L_overlay_start_1:
0x0: {  	(tag) =	ssettag $0x1  }
0x1: {  	s0 =	srdreg.scid  }
0x2: {  	s1 =	sshll.u32 s0, $0x4  }
0x3: {  	s0 =	stileid.u32;
	s1 =	sand.u32 $0x10, s1  }
0x4: {  	s1 =	sor.u32 s0, s1  }
0x5: {  	s6 =	rddreg [dreg:$0x0];
	s4 =	simm.s32 $0x1;
	s2 =	sshll.u32 s1, $0x7  }
0x6: {  	s7 =	simm.s32 $0x2;
	s12 =	simm.s32 $0x0;
	s1 =	ssub.s32 $0x1000, s2  }
0x7: {  	s8 =	simm.s32 $0x8000;
	s13 =	simm.s32 $0x0;
	s3 =	sand.u32 $0xF80, s1  }
0x8: {  	s9 =	simm.s32 $0x0;
	s5 =	sshrl.u32 s1, $0xC;
	p0 =	sne.s32 s3, $0x0  }
.Ltmp0:
0x9: {  	s1 =	rddreg [dreg:$0x2];
	s4 =	simm.s32 @!p0 $0x0;
	(pc) =	sbr.rel .LBB1_1-.Ltmp0, $4  }
0xa: {  	s11 =	simm.s32 $0x0;
	s3 =	rddreg [dreg:$0x1];
	s5 =	sadd.s32 s4, s5  }
0xb: {  	_ =	strace $0x8000004A;
	s4 =	simm.s32 $0x1;
	s5 =	smul.u32 $0xC8, s5  }
0xc: {  	s6 =	sadd.s32 $0x800, s6;
	s10 =	smov.u32 s2;
	[sflag:s4] =	ssyncpa.u1 $0x0  }
0xd: {  	p0 =	por $0x0, $0x0;
	[sflag:s7] =	ssyncpa.u1 $0x0;
	s7 =	sor.u32 $0x1, s5  }
.LBB1_4:
0xe: {  	s16 =	sshll.u32 s13, $0x3;
	s17 =	sand.u32 $0x78, s13  }
0xf: {  	s30 =	sand.u32 $0x3E00, s13;
	s12 =	sshll.u32 s12, $0xE;
	s16 =	sand.u32 $0xC00, s16  }
0x10: {  	s31 =	sand.u32 $0x7, s13;
	s16 =	sor.u32 s17, s16;
	s17 =	sadd.s32 s3, s30  }
0x11: {  	s13 =	sshll.u32 s31, $0x12;
	s16 =	sshrl.u32 s16, $0x3;
	s12 =	sadd.s32 s12, s17  }
0x12: {  	[tilespmem:s15+$0x0 ss:$0x81] =	vst.msk $0xffff, v0;
	s13 =	sor.u32 $0x400, s13;
	s12 =	sadd.s32 s16, s12  }
0x13: {  	[hbm4b:s12+s13] =	stream.strided.scatter [tilespmem:s14], [sflag:$0x2], $0x1000, s8, s13, $0x20;
	[tilespmem:$0x4040] =	vst v63  }
.LBB1_5:
0x14: {  	s14 =	sadd.s32 $0x1, s9  }
0x15: {  	s12 =	sadd.s32 $0x1000, s10;
	s16 =	smov.u32 s10;
	p2 =	sgt.s32 s14, $0xC7  }
0x16: {  	s16 =	smov.u32 @p2 s12  }
0x17: {  	s14 =	simm.s32 @p2 $0x0;
	p2 =	sgt.s32 s16, $0xFFF  }
0x18: {  	s16 =	smov.u32 @p2 s2;
	p2 =	sne.s32 s11, s7  }
.Ltmp1:
0x19: {  	p1 =	slt.u32 s11, $0x2;
	(pc) =	sbr.rel @!p2 .LBB1_6-.Ltmp1, $4  }
0x1a: {  	s15 =	simm.s32 @!p1 $0x2  }
0x1b: {  	s13 =	smov.u32 s10;
	p0 =	por !p0, !p0;
	_ =	swait.ge @!p1 [sflag:s15], $0x1000  }
0x1c: {  	s12 =	smov.u32 s9;
	[sflag:s15] =	ssyncset.done @!p1 $0x0;
	s9 =	smov.u32 s14  }
0x1d: {  	s11 =	sadd.s32 $0x1, s11;
	[sflag:s15] =	ssyncadd.s32 @!p1 $0xFFFFF000;
	s10 =	smov.u32 s16  }
.LBB1_1:
0x1e: {  	p1 =	sge.u32 s11, s5  }
0x1f: {  	s14 =	sand.u32 @!p1 $0x1FFFFFF, s9  }
0x20: {  	s15 =	smulhi.u32 @!p1 $0x147AE15, s14;
	_ =	sdelay $0x1  }
0x21: {  	s15 =	smul.u32 @!p1 $0xC8, s15  }
0x22: {  	s16 =	sxor.u32 @!p1 $0xFFFFFFFF, s11;
	s17 =	smul.u32 @!p1 $0xC80, s10  }
0x23: {  	s31 =	sadd.s32 $0xFFFFFFFF, s11;
	s16 =	sshll.u32 @!p1 s16, $0xC;
	s14 =	ssub.s32 @!p1 s14, s15  }
0x24: {  	s15 =	sand.u32 @!p1 $0x1000, s16;
	s16 =	sadd.s32 @!p1 s6, s17;
	s14 =	sshll.u32 @!p1 s14, $0x4  }
0x25: {  	s17 =	simm.s32 @!p1 $0x6400;
	s14 =	sadd.s32 @!p1 s14, s16;
	s16 =	simm.s32 @!p1 $0x20  }
0x26: {  	[tilespmem:s15], [sflag:$0x1] =	stream.strided.gather @!p1 [hbm4b:s14+s16], $0x1000, s17, s16, $0x38;
	[tilespmem:$0x4040] =	vst v63  }
0x27: {  	p1 =	sge.u32 s31, s5  }
.Ltmp2:
0x28: {  	_ = 	snop;
	(pc) =	sbr.rel @p1 .LBB1_5-.Ltmp2, $1  }
0x29: {  	_ =	sdelay $0x3  }
0x2a: {  	s14 =	simm.s32 $0x1  }
0x2b: {  	_ =	swait.ge [sflag:s4], $0x1000;
	s14 =	simm.s32 @!p0 $0x0  }
0x2c: {  	[sflag:s4] =	ssyncset.done $0x0;
	s15 =	sshll.u32 s14, $0xC  }
0x2d: {  	[sflag:s4] =	ssyncadd.s32 $0xFFFFF000;
	s18 =	sor.u32 $0x10, s15  }
0x2e: {  	s14 =	smul.u32 $0x4080, s14;
	v1 =	vld [tilespmem:s18+$0x0]  }
0x2f: {  	s30 =	sand.u32 $0x1, s11;
	v0 =	vld [tilespmem:s18+$0xFFFFFFF0]  }
0x30: {  	s15 =	smul.u32 $0x4080, s30;
	s14 =	sshrl.u32 s14, $0x2  }
0x31: {  	s16 =	sor.u32 $0x2000, s14  }
0x32: {  	s31 =	sshrl.u32 s15, $0x2;
	s15 =	sadd.s32 $0x0, s16  }
0x33: {  	s17 =	simm.s32 $0x4;
	s18 =	sadd.s32 $0x20, s18;
	s14 =	sor.u32 $0x2000, s31;
	[tilespmem:s15+$0x810 ss:$0x81] =	vst.msk $0xffff, v1  }
.LBB1_3:
0x34: {  	v1 =	vld [tilespmem:s18+$0x0];
	p1 =	sne.s32 s17, $0x1FC;
	[tilespmem:s15+$0x0 ss:$0x81] =	vst.msk $0xffff, v0;
	s15 =	smov.u32 s17;
	s17 =	sadd.s32 $0x4, s17  }
.Ltmp3:
0x35: {  	v0 =	vld [tilespmem:s18+$0xFFFFFFF0];
	(pc) =	sbr.rel @p1 .LBB1_3-.Ltmp3, $4  }
0x36: {  	_ = 	snop  }
0x37: {  	s15 =	sshra.s32 s15, $0x2  }
0x38: {  	s15 =	sadd.s32 s15, s16  }
0x39: {  	s18 =	sadd.s32 $0x20, s18;
	[tilespmem:s15+$0x810 ss:$0x81] =	vst.msk $0xffff, v1  }
.Ltmp4:
0x3a: {  	_ = 	snop;
	(pc) =	sbr.rel .LBB1_4-.Ltmp4, $1  }
0x3b: {  	_ =	sdelay $0x3  }
.LBB1_6:
0x3c: {  	_ =	sfence.sel $0x180000  }
0x3d: {  	s2 =	simm.s32 $0x1;
	[bflag:$0x0] =	sbarrier.arrive $0xFFFF  }
0x3e: {  	s31 =	simm.s32 $0x2;
	[sflag:s2] =	ssyncpa.u1 $0x1  }
0x3f: {  	[sflag:s31] =	ssyncpa.u1 $0x1  }
0x40: {  	p0 =	sne.s32 s0, $0x0;
	_ =	strace $0x9000004A  }
0x41: {  	s0 =	sadd.s32 @!p0 $0x100000, s1;
	[bflag:$0x2] =	sbarrier.arrive $0xFFFF  }
0x42: {  	[sflag:s0] =	ssyncadd.tile.s32 @!p0 $0x1;
	_ =	shalt  }
.Lfunc_end1:
_tile_overlayer_lowered:
.L_overlay_start_2:
0x43: {  	(tag) =	ssettag $0x2  }
0x44: {  	s0 =	rddreg [dreg:$0x0];
	s2 =	stileid.u32  }
0x45: {  	s1 =	rddreg [dreg:$0x1];
	p0 =	sne.s32 s2, $0x0  }
0x46: {  	s3 =	rddreg [dreg:$0x2];
	[bflag:$0x3] =	sbarrier.arrive $0xFFFF;
	s2 =	simm.s32 @!p0 $0x1C01  }
0x47: {  	[timem:s3], [sflag:s2] =	dma.local @!p0 [hbm:s0], s1  }
0x48: {  	s0 =	simm.s32 @!p0 $0x1  }
0x49: {  	_ =	swait.ge @!p0 [sflag:s0], s1  }
0x4a: {  	s1 =	ssub.s32 @!p0 $0x0, s1;
	[sflag:s0] =	ssyncset.done @!p0 $0x0  }
0x4b: {  	[sflag:s0] =	ssyncadd.s32 @!p0 s1  }
0x4c: {  	[bflag:$0x3] =	sbarrier.arrive $0xFFFF  }
0x4d: {  	_ =	shalt  }

</sc_bundles>
